<compile_context>
chip_gen: v7x
topology: tpu7x:2x2x1
jax: 0.10.2.dev20260603
libtpu: 0.0.44.dev20260713+nightly
codegen_flags: <defaults>
</compile_context>

<pallas_src>
import functools
import numpy as np
import jax
import jax.numpy as jnp
from jax import lax
from jax.experimental import pallas as pl
from jax.experimental.pallas import tpu as pltpu
from jax.experimental.pallas import tpu_sc as plsc


def _pts_table_t():
    vert_angles = np.radians(np.concatenate((
        np.linspace(4 + 1.0 / 3, -8 - 1.0 / 3, 40),
        np.linspace(-8 - 1.0 / 3 - 1.0 / 2, -24 - 1.0 / 3, 32))))
    hor_angles = np.radians(np.flip(np.arange(0, 360, 0.1728)) + 180)
    ray = np.array([1.0, 0, 0])
    vert_rotmat = np.array([[[np.cos(a), 0, -np.sin(a)], [0, 1, 0],
                             [np.sin(a), 0, np.cos(a)]] for a in vert_angles])
    hor_rotmat = np.array([[[np.cos(a), -np.sin(a), 0],
                            [np.sin(a), np.cos(a), 0],
                            [0, 0, 1]] for a in hor_angles])
    v = vert_rotmat @ ray
    pts = np.einsum('xij,yj->iyx', hor_rotmat, v)
    return pts.astype(np.float32)


_PTS_T = _pts_table_t()

_NB = 64
_SPLIT = 56
_PLANE = 72 * 2084
_NC = 2
_NS = 16
_STEP = 4688
_LEN = 4720
_BB = 8



def _tc_xyz(data_ref, pts_ref, out_ref):
    for i in range(_BB):
        dist = data_ref[i, 0]
        maskv = data_ref[i, 1]
        m = maskv >= 0.5
        zero = jnp.zeros((), dtype=dist.dtype)
        md = jnp.where(m, dist, zero)
        out_ref[i, 0] = md * pts_ref[0]
        out_ref[i, 1] = md * pts_ref[1]
        out_ref[i, 2] = md * pts_ref[2]
        out_ref[i, 3] = maskv


def _tc_call(data, pts):
    b, c, ys, xs = data.shape
    return pl.pallas_call(
        _tc_xyz,
        grid=(_SPLIT // _BB,),
        in_specs=[
            pl.BlockSpec((_BB, c, ys, xs), lambda i: (i, 0, 0, 0)),
            pl.BlockSpec((3, ys, xs), lambda i: (0, 0, 0)),
        ],
        out_specs=pl.BlockSpec((_BB, 4, ys, xs), lambda i: (i, 0, 0, 0)),
        out_shape=jax.ShapeDtypeStruct((_SPLIT, 4, ys, xs), data.dtype),
        compiler_params=pltpu.CompilerParams(
            vmem_limit_bytes=100 * 1024 * 1024,
        ),
    )(data, pts)



_NB_SC = _NB - _SPLIT


def _sc_xyz(data_hbm, pts_hbm, out_hbm,
            d0, m0, d1, m1,
            o00, o01, o02, o03, o10, o11, o12, o13,
            p0, p1, p2,
            s_in0, s_in1, s_out0, s_out1, s_pts):
    wid = lax.axis_index("s") * _NC + lax.axis_index("c")
    off = wid * _STEP

    din = ((d0, m0), (d1, m1))
    dout = ((o00, o01, o02, o03), (o10, o11, o12, o13))
    ptsb = (p0, p1, p2)

    for c in range(3):
        pltpu.async_copy(pts_hbm.at[pl.ds(c * _PLANE + off, _LEN)],
                         ptsb[c], s_pts)
    for c in range(3):
        pltpu.make_async_copy(pts_hbm.at[pl.ds(c * _PLANE + off, _LEN)],
                              ptsb[c], s_pts).wait()

    def issue_in(b, slot, sem):
        base = 2 * (b + _SPLIT) * _PLANE + off
        pltpu.async_copy(data_hbm.at[pl.ds(base, _LEN)], din[slot][0], sem)
        pltpu.async_copy(data_hbm.at[pl.ds(base + _PLANE, _LEN)],
                         din[slot][1], sem)

    def wait_in(b, slot, sem):
        base = 2 * (b + _SPLIT) * _PLANE + off
        pltpu.make_async_copy(data_hbm.at[pl.ds(base, _LEN)],
                              din[slot][0], sem).wait()
        pltpu.make_async_copy(data_hbm.at[pl.ds(base + _PLANE, _LEN)],
                              din[slot][1], sem).wait()

    def issue_out(b, slot, sem):
        for c in range(4):
            pltpu.async_copy(dout[slot][c],
                             out_hbm.at[pl.ds((4 * b + c) * _PLANE + off, _LEN)],
                             sem)

    def wait_out(b, slot, sem):
        for c in range(4):
            pltpu.make_async_copy(dout[slot][c],
                                  out_hbm.at[pl.ds((4 * b + c) * _PLANE + off, _LEN)],
                                  sem).wait()

    def compute(slot):
        dref, mref = din[slot]
        oref = dout[slot]

        def body(i, carry):
            sl = pl.ds(i * 16, 16)
            d = dref[sl]
            m = mref[sl]
            md = jnp.where(m >= 0.5, d, 0.0)
            oref[0][sl] = md * ptsb[0][sl]
            oref[1][sl] = md * ptsb[1][sl]
            oref[2][sl] = md * ptsb[2][sl]
            oref[3][sl] = m
            return carry
        lax.fori_loop(0, _LEN // 16, body, 0)

    sems_in = (s_in0, s_in1)
    sems_out = (s_out0, s_out1)

    issue_in(0, 0, s_in0)

    def outer(i, carry):
        for s in range(2):
            b = 2 * i + s
            wait_in(b, s, sems_in[s])

            @pl.when(b + 1 < _NB_SC)
            def _():
                issue_in(b + 1, 1 - s, sems_in[1 - s])

            @pl.when(b >= 2)
            def _():
                wait_out(b - 2, s, sems_out[s])

            compute(s)
            issue_out(b, s, sems_out[s])
        return carry

    lax.fori_loop(0, _NB_SC // 2, outer, 0)
    wait_out(_NB_SC - 2, 0, s_out0)
    wait_out(_NB_SC - 1, 1, s_out1)


_sc_call = functools.partial(
    pl.kernel,
    mesh=plsc.VectorSubcoreMesh(core_axis_name="c", subcore_axis_name="s"),
    out_type=jax.ShapeDtypeStruct((_NB_SC * 4 * _PLANE,), jnp.float32),
    scratch_types=(
        [pltpu.VMEM((_LEN,), jnp.float32)] * 15
        + [pltpu.SemaphoreType.DMA] * 5
    ),
)(_sc_xyz)


def kernel(data):
    b, c, ys, xs = data.shape
    pts = _PTS_T[:, :ys, :xs]
    data1d = data.reshape(b * c * ys * xs)
    pts1d = pts.reshape(3 * ys * xs)
    sc_out = _sc_call(data1d, pts1d).reshape(_NB_SC, 4, ys, xs)
    tc_out = _tc_call(data, pts)
    return jnp.concatenate([tc_out, sc_out], axis=0)

# --- scband reference (transcript-rebuilt; emitter-appended) ---
"""Pipeline reference for scband-xyz-86071144612333 (READ-ONLY COPY).

The authoritative reference and input builder live on the scoring server;
editing this copy changes nothing except your own understanding.
"""

import jax, jax.numpy as jnp
import numpy as np

DIST_DIM = 0
MASK_DIM = 1
X_START = 0

def _pts_table():
    vert_angles = np.radians(np.concatenate((np.linspace(4 + 1.0 / 3, -8 - 1.0 / 3, 40), np.linspace(-8 - 1.0 / 3 - 1.0 / 2, -24 - 1.0 / 3, 32))))
    hor_angles = np.radians(np.flip(np.arange(0, 360, 0.1728)) + 180)
    ray = np.array([1.0, 0, 0])
    vert_rotmat = np.array([[[np.cos(a), 0, -np.sin(a)], [0, 1, 0], [np.sin(a), 0, np.cos(a)]] for a in vert_angles])
    hor_rotmat = np.array([[[np.cos(a), -np.sin(a), 0], [np.sin(a), np.cos(a), 0], [0, 0, 1]] for a in hor_angles])
    v = vert_rotmat @ ray  # [72, 3]
    # pts[y, x] = hor_rotmat[x] @ vert_rotmat[y] @ ray
    pts = np.einsum('xij,yj->yxi', hor_rotmat, v)  # [72, 2084, 3], float64
    return jnp.asarray(pts.astype(np.float32))

_PTS = _pts_table()

def setup_inputs(seed: int = 0) -> dict:
    key = jax.random.key(seed)
    data = jax.random.uniform(key, (64, 2, 72, 2084), dtype=jnp.float32)
    return {"data": data}

def reference(data):
    b, c, ys, xs = data.shape
    pts = _PTS[:ys, X_START:X_START + xs]  # [ys, xs, 3]
    mask = data[:, MASK_DIM] >= 0.5        # [b, ys, xs]
    dists = data[:, DIST_DIM]              # [b, ys, xs]
    # Equivalent to scatter: result[batch,:3,y,x] = dists*pts only where mask>=0.5, zeros elsewhere
    xyz = jnp.where(mask[..., None], dists[..., None] * pts[None], jnp.zeros((), dtype=data.dtype))  # [b, ys, xs, 3]
    xyz = jnp.transpose(xyz, (0, 3, 1, 2)).astype(data.dtype)  # [b, 3, ys, xs]
    result = jnp.concatenate([xyz, data[:, MASK_DIM][:, None]], axis=1)  # [b, 4, ys, xs]
    return result

if __name__ == "__main__":
    import jax
    _d = setup_inputs()
    print(jax.jit(kernel)(*tuple(_d.values())))

</pallas_src>

<mosaic_0001>
#map = affine_map<(d0, d1) -> (0)>
module attributes {stable_mosaic.version = 14 : i64} {
  func.func @_sc_xyz(%arg0: i32, %arg1: i32, %arg2: memref<19206144xf32, #tpu.memory_space<hbm>>, %arg3: memref<450144xf32, #tpu.memory_space<hbm>>, %arg4: memref<4801536xf32, #tpu.memory_space<hbm>>, %arg5: memref<4720xf32, #tpu.memory_space<vmem>>, %arg6: memref<4720xf32, #tpu.memory_space<vmem>>, %arg7: memref<4720xf32, #tpu.memory_space<vmem>>, %arg8: memref<4720xf32, #tpu.memory_space<vmem>>, %arg9: memref<4720xf32, #tpu.memory_space<vmem>>, %arg10: memref<4720xf32, #tpu.memory_space<vmem>>, %arg11: memref<4720xf32, #tpu.memory_space<vmem>>, %arg12: memref<4720xf32, #tpu.memory_space<vmem>>, %arg13: memref<4720xf32, #tpu.memory_space<vmem>>, %arg14: memref<4720xf32, #tpu.memory_space<vmem>>, %arg15: memref<4720xf32, #tpu.memory_space<vmem>>, %arg16: memref<4720xf32, #tpu.memory_space<vmem>>, %arg17: memref<4720xf32, #tpu.memory_space<vmem>>, %arg18: memref<4720xf32, #tpu.memory_space<vmem>>, %arg19: memref<4720xf32, #tpu.memory_space<vmem>>, %arg20: memref<!tpu.dma_semaphore, #tpu.memory_space<semaphore_mem>>, %arg21: memref<!tpu.dma_semaphore, #tpu.memory_space<semaphore_mem>>, %arg22: memref<!tpu.dma_semaphore, #tpu.memory_space<semaphore_mem>>, %arg23: memref<!tpu.dma_semaphore, #tpu.memory_space<semaphore_mem>>, %arg24: memref<!tpu.dma_semaphore, #tpu.memory_space<semaphore_mem>>) attributes {dimension_semantics = [#tpu.dimension_semantics<core_parallel>, #tpu.dimension_semantics<subcore_parallel>], iteration_bounds = array<i64: 2, 16>, scalar_prefetch = 0 : i64, scratch_operands = 20 : i64, tpu.core_type = #tpu.core_type<sc_vector_subcore>, window_params = [{transform_indices = #map}, {transform_indices = #map}, {transform_indices = #map}]} {
    %mul3A = arith.constant 2 : i32
    %mul3A_0 = arith.muli %arg1, %mul3A : i32
    %add3A = arith.addi %mul3A_0, %arg0 : i32
    %mul3A_1 = arith.constant 4688 : i32
    %mul3A_2 = arith.muli %add3A, %mul3A_1 : i32
    %add3A_3 = arith.constant 0 : i32
    %add3A_4 = arith.addi %add3A_3, %mul3A_2 : i32
    %dma_start3A = tpu.memref_slice %arg3[%add3A_4] : memref<450144xf32, #tpu.memory_space<hbm>> -> memref<4720xf32, #tpu.memory_space<hbm>>
    %dma_start3A_5 = tpu.memref_slice %arg3[%add3A_4] : memref<450144xf32, #tpu.memory_space<hbm>> -> memref<4720xf32, #tpu.memory_space<hbm>>
    tpu.enqueue_dma source(%dma_start3A_5 : memref<4720xf32, #tpu.memory_space<hbm>>) target(%arg17 : memref<4720xf32, #tpu.memory_space<vmem>>) target_semaphore(%arg24 : memref<!tpu.dma_semaphore, #tpu.memory_space<semaphore_mem>>)
    %add3A_6 = arith.constant 150048 : i32
    %add3A_7 = arith.addi %add3A_6, %mul3A_2 : i32
    %dma_start3A_8 = tpu.memref_slice %arg3[%add3A_7] : memref<450144xf32, #tpu.memory_space<hbm>> -> memref<4720xf32, #tpu.memory_space<hbm>>
    %dma_start3A_9 = tpu.memref_slice %arg3[%add3A_7] : memref<450144xf32, #tpu.memory_space<hbm>> -> memref<4720xf32, #tpu.memory_space<hbm>>
    tpu.enqueue_dma source(%dma_start3A_9 : memref<4720xf32, #tpu.memory_space<hbm>>) target(%arg18 : memref<4720xf32, #tpu.memory_space<vmem>>) target_semaphore(%arg24 : memref<!tpu.dma_semaphore, #tpu.memory_space<semaphore_mem>>)
    %add3A_10 = arith.constant 300096 : i32
    %add3A_11 = arith.addi %add3A_10, %mul3A_2 : i32
    %dma_start3A_12 = tpu.memref_slice %arg3[%add3A_11] : memref<450144xf32, #tpu.memory_space<hbm>> -> memref<4720xf32, #tpu.memory_space<hbm>>
    %dma_start3A_13 = tpu.memref_slice %arg3[%add3A_11] : memref<450144xf32, #tpu.memory_space<hbm>> -> memref<4720xf32, #tpu.memory_space<hbm>>
    tpu.enqueue_dma source(%dma_start3A_13 : memref<4720xf32, #tpu.memory_space<hbm>>) target(%arg19 : memref<4720xf32, #tpu.memory_space<vmem>>) target_semaphore(%arg24 : memref<!tpu.dma_semaphore, #tpu.memory_space<semaphore_mem>>)
    %add3A_14 = arith.constant 0 : i32
    %add3A_15 = arith.addi %add3A_14, %mul3A_2 : i32
    %dma_wait3A = tpu.memref_slice %arg3[%add3A_15] : memref<450144xf32, #tpu.memory_space<hbm>> -> memref<4720xf32, #tpu.memory_space<hbm>>
    %dma_wait3A_16 = tpu.memref_slice %arg3[%add3A_15] : memref<450144xf32, #tpu.memory_space<hbm>> -> memref<4720xf32, #tpu.memory_space<hbm>>
    tpu.wait_dma2 semaphore(%arg24 : memref<!tpu.dma_semaphore, #tpu.memory_space<semaphore_mem>>) src(%dma_wait3A_16 : memref<4720xf32, #tpu.memory_space<hbm>>) dst(%arg17 : memref<4720xf32, #tpu.memory_space<vmem>>)
    %add3A_17 = arith.constant 150048 : i32
    %add3A_18 = arith.addi %add3A_17, %mul3A_2 : i32
    %dma_wait3A_19 = tpu.memref_slice %arg3[%add3A_18] : memref<450144xf32, #tpu.memory_space<hbm>> -> memref<4720xf32, #tpu.memory_space<hbm>>
    %dma_wait3A_20 = tpu.memref_slice %arg3[%add3A_18] : memref<450144xf32, #tpu.memory_space<hbm>> -> memref<4720xf32, #tpu.memory_space<hbm>>
    tpu.wait_dma2 semaphore(%arg24 : memref<!tpu.dma_semaphore, #tpu.memory_space<semaphore_mem>>) src(%dma_wait3A_20 : memref<4720xf32, #tpu.memory_space<hbm>>) dst(%arg18 : memref<4720xf32, #tpu.memory_space<vmem>>)
    %add3A_21 = arith.constant 300096 : i32
    %add3A_22 = arith.addi %add3A_21, %mul3A_2 : i32
    %dma_wait3A_23 = tpu.memref_slice %arg3[%add3A_22] : memref<450144xf32, #tpu.memory_space<hbm>> -> memref<4720xf32, #tpu.memory_space<hbm>>
    %dma_wait3A_24 = tpu.memref_slice %arg3[%add3A_22] : memref<450144xf32, #tpu.memory_space<hbm>> -> memref<4720xf32, #tpu.memory_space<hbm>>
    tpu.wait_dma2 semaphore(%arg24 : memref<!tpu.dma_semaphore, #tpu.memory_space<semaphore_mem>>) src(%dma_wait3A_24 : memref<4720xf32, #tpu.memory_space<hbm>>) dst(%arg19 : memref<4720xf32, #tpu.memory_space<vmem>>)
    %add3A_25 = arith.constant 16805376 : i32
    %add3A_26 = arith.addi %add3A_25, %mul3A_2 : i32
    %dma_start3A_27 = tpu.memref_slice %arg2[%add3A_26] : memref<19206144xf32, #tpu.memory_space<hbm>> -> memref<4720xf32, #tpu.memory_space<hbm>>
    %dma_start3A_28 = tpu.memref_slice %arg2[%add3A_26] : memref<19206144xf32, #tpu.memory_space<hbm>> -> memref<4720xf32, #tpu.memory_space<hbm>>
    tpu.enqueue_dma source(%dma_start3A_28 : memref<4720xf32, #tpu.memory_space<hbm>>) target(%arg5 : memref<4720xf32, #tpu.memory_space<vmem>>) target_semaphore(%arg20 : memref<!tpu.dma_semaphore, #tpu.memory_space<semaphore_mem>>)
    %add3A_29 = arith.constant 150048 : i32
    %add3A_30 = arith.addi %add3A_26, %add3A_29 : i32
    %dma_start3A_31 = tpu.memref_slice %arg2[%add3A_30] : memref<19206144xf32, #tpu.memory_space<hbm>> -> memref<4720xf32, #tpu.memory_space<hbm>>
    %dma_start3A_32 = tpu.memref_slice %arg2[%add3A_30] : memref<19206144xf32, #tpu.memory_space<hbm>> -> memref<4720xf32, #tpu.memory_space<hbm>>
    tpu.enqueue_dma source(%dma_start3A_32 : memref<4720xf32, #tpu.memory_space<hbm>>) target(%arg6 : memref<4720xf32, #tpu.memory_space<vmem>>) target_semaphore(%arg20 : memref<!tpu.dma_semaphore, #tpu.memory_space<semaphore_mem>>)
    %scan3A = arith.constant 0 : i32
    %scan3A_33 = arith.constant 0 : i32
    %scan3A_34 = arith.constant 4 : i32
    %scan3A_35 = arith.addi %scan3A_33, %scan3A_34 : i32
    %scan3A_36 = arith.constant 1 : i32
    scf.for %scan3A_70 = %scan3A_33 to %scan3A_35 step %scan3A_36  : i32 {
      %mul3A_71 = arith.constant 2 : i32
      %mul3A_72 = arith.muli %mul3A_71, %scan3A_70 : i32
      %add3A_73 = arith.constant 0 : i32
      %add3A_74 = arith.addi %mul3A_72, %add3A_73 : i32
      %add3A_75 = arith.constant 56 : i32
      %add3A_76 = arith.addi %add3A_74, %add3A_75 : i32
      %mul3A_77 = arith.constant 2 : i32
      %mul3A_78 = arith.muli %mul3A_77, %add3A_76 : i32
      %mul3A_79 = arith.constant 150048 : i32
      %mul3A_80 = arith.muli %mul3A_78, %mul3A_79 : i32
      %add3A_81 = arith.addi %mul3A_80, %mul3A_2 : i32
      %dma_wait3A_82 = tpu.memref_slice %arg2[%add3A_81] : memref<19206144xf32, #tpu.memory_space<hbm>> -> memref<4720xf32, #tpu.memory_space<hbm>>
      %dma_wait3A_83 = tpu.memref_slice %arg2[%add3A_81] : memref<19206144xf32, #tpu.memory_space<hbm>> -> memref<4720xf32, #tpu.memory_space<hbm>>
      tpu.wait_dma2 semaphore(%arg20 : memref<!tpu.dma_semaphore, #tpu.memory_space<semaphore_mem>>) src(%dma_wait3A_83 : memref<4720xf32, #tpu.memory_space<hbm>>) dst(%arg5 : memref<4720xf32, #tpu.memory_space<vmem>>)
      %add3A_84 = arith.constant 150048 : i32
      %add3A_85 = arith.addi %add3A_81, %add3A_84 : i32
      %dma_wait3A_86 = tpu.memref_slice %arg2[%add3A_85] : memref<19206144xf32, #tpu.memory_space<hbm>> -> memref<4720xf32, #tpu.memory_space<hbm>>
      %dma_wait3A_87 = tpu.memref_slice %arg2[%add3A_85] : memref<19206144xf32, #tpu.memory_space<hbm>> -> memref<4720xf32, #tpu.memory_space<hbm>>
      tpu.wait_dma2 semaphore(%arg20 : memref<!tpu.dma_semaphore, #tpu.memory_space<semaphore_mem>>) src(%dma_wait3A_87 : memref<4720xf32, #tpu.memory_space<hbm>>) dst(%arg6 : memref<4720xf32, #tpu.memory_space<vmem>>)
      %add3A_88 = arith.constant 1 : i32
      %add3A_89 = arith.addi %add3A_74, %add3A_88 : i32
      %lt3A = arith.constant 8 : i32
      %lt3A_90 = arith.cmpi slt, %add3A_89, %lt3A : i32
      %convert_element_type3A = arith.extui %lt3A_90 : i1 to i32
      %cond3A = arith.constant 0 : i32
      %cond3A_91 = arith.cmpi ne, %convert_element_type3A, %cond3A : i32
      scf.if %cond3A_91 {
        %add3A_209 = arith.constant 1 : i32
        %add3A_210 = arith.addi %add3A_74, %add3A_209 : i32
        %add3A_211 = arith.constant 56 : i32
        %add3A_212 = arith.addi %add3A_210, %add3A_211 : i32
        %mul3A_213 = arith.constant 2 : i32
        %mul3A_214 = arith.muli %mul3A_213, %add3A_212 : i32
        %mul3A_215 = arith.constant 150048 : i32
        %mul3A_216 = arith.muli %mul3A_214, %mul3A_215 : i32
        %add3A_217 = arith.addi %mul3A_216, %mul3A_2 : i32
        %dma_start3A_218 = tpu.memref_slice %arg2[%add3A_217] : memref<19206144xf32, #tpu.memory_space<hbm>> -> memref<4720xf32, #tpu.memory_space<hbm>>
        %dma_start3A_219 = tpu.memref_slice %arg2[%add3A_217] : memref<19206144xf32, #tpu.memory_space<hbm>> -> memref<4720xf32, #tpu.memory_space<hbm>>
        tpu.enqueue_dma source(%dma_start3A_219 : memref<4720xf32, #tpu.memory_space<hbm>>) target(%arg7 : memref<4720xf32, #tpu.memory_space<vmem>>) target_semaphore(%arg21 : memref<!tpu.dma_semaphore, #tpu.memory_space<semaphore_mem>>)
        %add3A_220 = arith.constant 150048 : i32
        %add3A_221 = arith.addi %add3A_217, %add3A_220 : i32
        %dma_start3A_222 = tpu.memref_slice %arg2[%add3A_221] : memref<19206144xf32, #tpu.memory_space<hbm>> -> memref<4720xf32, #tpu.memory_space<hbm>>
        %dma_start3A_223 = tpu.memref_slice %arg2[%add3A_221] : memref<19206144xf32, #tpu.memory_space<hbm>> -> memref<4720xf32, #tpu.memory_space<hbm>>
        tpu.enqueue_dma source(%dma_start3A_223 : memref<4720xf32, #tpu.memory_space<hbm>>) target(%arg8 : memref<4720xf32, #tpu.memory_space<vmem>>) target_semaphore(%arg21 : memref<!tpu.dma_semaphore, #tpu.memory_space<semaphore_mem>>)
      } else {
      }
      %ge3A = arith.constant 2 : i32
      %ge3A_92 = arith.cmpi sge, %add3A_74, %ge3A : i32
      %convert_element_type3A_93 = arith.extui %ge3A_92 : i1 to i32
      %cond3A_94 = arith.constant 0 : i32
      %cond3A_95 = arith.cmpi ne, %convert_element_type3A_93, %cond3A_94 : i32
      scf.if %cond3A_95 {
        %sub3A = arith.constant 2 : i32
        %sub3A_209 = arith.subi %add3A_74, %sub3A : i32
        %mul3A_210 = arith.constant 4 : i32
        %mul3A_211 = arith.muli %mul3A_210, %sub3A_209 : i32
        %add3A_212 = arith.constant 0 : i32
        %add3A_213 = arith.addi %mul3A_211, %add3A_212 : i32
        %mul3A_214 = arith.constant 150048 : i32
        %mul3A_215 = arith.muli %add3A_213, %mul3A_214 : i32
        %add3A_216 = arith.addi %mul3A_215, %mul3A_2 : i32
        %dma_wait3A_217 = tpu.memref_slice %arg4[%add3A_216] : memref<4801536xf32, #tpu.memory_space<hbm>> -> memref<4720xf32, #tpu.memory_space<hbm>>
        %dma_wait3A_218 = tpu.memref_slice %arg4[%add3A_216] : memref<4801536xf32, #tpu.memory_space<hbm>> -> memref<4720xf32, #tpu.memory_space<hbm>>
        tpu.wait_dma2 semaphore(%arg22 : memref<!tpu.dma_semaphore, #tpu.memory_space<semaphore_mem>>) src(%arg9 : memref<4720xf32, #tpu.memory_space<vmem>>) dst(%dma_wait3A_218 : memref<4720xf32, #tpu.memory_space<hbm>>)
        %mul3A_219 = arith.constant 4 : i32
        %mul3A_220 = arith.muli %mul3A_219, %sub3A_209 : i32
        %add3A_221 = arith.constant 1 : i32
        %add3A_222 = arith.addi %mul3A_220, %add3A_221 : i32
        %mul3A_223 = arith.constant 150048 : i32
        %mul3A_224 = arith.muli %add3A_222, %mul3A_223 : i32
        %add3A_225 = arith.addi %mul3A_224, %mul3A_2 : i32
        %dma_wait3A_226 = tpu.memref_slice %arg4[%add3A_225] : memref<4801536xf32, #tpu.memory_space<hbm>> -> memref<4720xf32, #tpu.memory_space<hbm>>
        %dma_wait3A_227 = tpu.memref_slice %arg4[%add3A_225] : memref<4801536xf32, #tpu.memory_space<hbm>> -> memref<4720xf32, #tpu.memory_space<hbm>>
        tpu.wait_dma2 semaphore(%arg22 : memref<!tpu.dma_semaphore, #tpu.memory_space<semaphore_mem>>) src(%arg10 : memref<4720xf32, #tpu.memory_space<vmem>>) dst(%dma_wait3A_227 : memref<4720xf32, #tpu.memory_space<hbm>>)
        %mul3A_228 = arith.constant 4 : i32
        %mul3A_229 = arith.muli %mul3A_228, %sub3A_209 : i32
        %add3A_230 = arith.constant 2 : i32
        %add3A_231 = arith.addi %mul3A_229, %add3A_230 : i32
        %mul3A_232 = arith.constant 150048 : i32
        %mul3A_233 = arith.muli %add3A_231, %mul3A_232 : i32
        %add3A_234 = arith.addi %mul3A_233, %mul3A_2 : i32
        %dma_wait3A_235 = tpu.memref_slice %arg4[%add3A_234] : memref<4801536xf32, #tpu.memory_space<hbm>> -> memref<4720xf32, #tpu.memory_space<hbm>>
        %dma_wait3A_236 = tpu.memref_slice %arg4[%add3A_234] : memref<4801536xf32, #tpu.memory_space<hbm>> -> memref<4720xf32, #tpu.memory_space<hbm>>
        tpu.wait_dma2 semaphore(%arg22 : memref<!tpu.dma_semaphore, #tpu.memory_space<semaphore_mem>>) src(%arg11 : memref<4720xf32, #tpu.memory_space<vmem>>) dst(%dma_wait3A_236 : memref<4720xf32, #tpu.memory_space<hbm>>)
        %mul3A_237 = arith.constant 4 : i32
        %mul3A_238 = arith.muli %mul3A_237, %sub3A_209 : i32
        %add3A_239 = arith.constant 3 : i32
        %add3A_240 = arith.addi %mul3A_238, %add3A_239 : i32
        %mul3A_241 = arith.constant 150048 : i32
        %mul3A_242 = arith.muli %add3A_240, %mul3A_241 : i32
        %add3A_243 = arith.addi %mul3A_242, %mul3A_2 : i32
        %dma_wait3A_244 = tpu.memref_slice %arg4[%add3A_243] : memref<4801536xf32, #tpu.memory_space<hbm>> -> memref<4720xf32, #tpu.memory_space<hbm>>
        %dma_wait3A_245 = tpu.memref_slice %arg4[%add3A_243] : memref<4801536xf32, #tpu.memory_space<hbm>> -> memref<4720xf32, #tpu.memory_space<hbm>>
        tpu.wait_dma2 semaphore(%arg22 : memref<!tpu.dma_semaphore, #tpu.memory_space<semaphore_mem>>) src(%arg12 : memref<4720xf32, #tpu.memory_space<vmem>>) dst(%dma_wait3A_245 : memref<4720xf32, #tpu.memory_space<hbm>>)
      } else {
      }
      %scan3A_96 = arith.constant 0 : i32
      %scan3A_97 = arith.constant 0 : i32
      %scan3A_98 = arith.constant 295 : i32
      %scan3A_99 = arith.addi %scan3A_97, %scan3A_98 : i32
      %scan3A_100 = arith.constant 1 : i32
      scf.for %scan3A_209 = %scan3A_97 to %scan3A_99 step %scan3A_100  : i32 {
        %mul3A_210 = arith.constant 16 : i32
        %mul3A_211 = arith.muli %scan3A_209, %mul3A_210 : i32
        %get3A = arith.index_cast %mul3A_211 : i32 to index
        %get3A_212 = tpu.vector_load %arg5[%get3A] {strides = array<i32>} : memref<4720xf32, #tpu.memory_space<vmem>>, vector<16xf32>,
        %get3A_213 = vector.shape_cast %get3A_212 : vector<16xf32> to vector<16xf32>
        %get3A_214 = arith.index_cast %mul3A_211 : i32 to index
        %get3A_215 = tpu.vector_load %arg6[%get3A_214] {strides = array<i32>} : memref<4720xf32, #tpu.memory_space<vmem>>, vector<16xf32>,
        %get3A_216 = vector.shape_cast %get3A_215 : vector<16xf32> to vector<16xf32>
        %ge3A_217 = arith.constant 5.000000e-01 : f32
        %ge3A_218 = vector.broadcast %ge3A_217 : f32 to vector<16xf32>
        %ge3A_219 = arith.cmpf oge, %get3A_216, %ge3A_218 : vector<16xf32>
        %jit3A = arith.constant 0.000000e+00 : f32
        %broadcast_in_dim3A = vector.broadcast %jit3A : f32 to vector<16xf32>
        %select_n3A = arith.select %ge3A_219, %get3A_213, %broadcast_in_dim3A : vector<16xi1>, vector<16xf32>
        %get3A_220 = arith.index_cast %mul3A_211 : i32 to index
        %get3A_221 = tpu.vector_load %arg17[%get3A_220] {strides = array<i32>} : memref<4720xf32, #tpu.memory_space<vmem>>, vector<16xf32>,
        %get3A_222 = vector.shape_cast %get3A_221 : vector<16xf32> to vector<16xf32>
        %mul3A_223 = arith.mulf %select_n3A, %get3A_222 : vector<16xf32>
        %swap3A = arith.index_cast %mul3A_211 : i32 to index
        %swap3A_224 = tpu.vector_load %arg9[%swap3A] {strides = array<i32>} : memref<4720xf32, #tpu.memory_space<vmem>>, vector<16xf32>,
        %swap3A_225 = vector.shape_cast %swap3A_224 : vector<16xf32> to vector<16xf32>
        %swap3A_226 = vector.shape_cast %mul3A_223 : vector<16xf32> to vector<16xf32>
        tpu.vector_store %arg9[%swap3A], %swap3A_226 {strides = array<i32>} : memref<4720xf32, #tpu.memory_space<vmem>>, vector<16xf32>,
        %get3A_227 = arith.index_cast %mul3A_211 : i32 to index
        %get3A_228 = tpu.vector_load %arg18[%get3A_227] {strides = array<i32>} : memref<4720xf32, #tpu.memory_space<vmem>>, vector<16xf32>,
        %get3A_229 = vector.shape_cast %get3A_228 : vector<16xf32> to vector<16xf32>
        %mul3A_230 = arith.mulf %select_n3A, %get3A_229 : vector<16xf32>
        %swap3A_231 = arith.index_cast %mul3A_211 : i32 to index
        %swap3A_232 = tpu.vector_load %arg10[%swap3A_231] {strides = array<i32>} : memref<4720xf32, #tpu.memory_space<vmem>>, vector<16xf32>,
        %swap3A_233 = vector.shape_cast %swap3A_232 : vector<16xf32> to vector<16xf32>
        %swap3A_234 = vector.shape_cast %mul3A_230 : vector<16xf32> to vector<16xf32>
        tpu.vector_store %arg10[%swap3A_231], %swap3A_234 {strides = array<i32>} : memref<4720xf32, #tpu.memory_space<vmem>>, vector<16xf32>,
        %get3A_235 = arith.index_cast %mul3A_211 : i32 to index
        %get3A_236 = tpu.vector_load %arg19[%get3A_235] {strides = array<i32>} : memref<4720xf32, #tpu.memory_space<vmem>>, vector<16xf32>,
        %get3A_237 = vector.shape_cast %get3A_236 : vector<16xf32> to vector<16xf32>
        %mul3A_238 = arith.mulf %select_n3A, %get3A_237 : vector<16xf32>
        %swap3A_239 = arith.index_cast %mul3A_211 : i32 to index
        %swap3A_240 = tpu.vector_load %arg11[%swap3A_239] {strides = array<i32>} : memref<4720xf32, #tpu.memory_space<vmem>>, vector<16xf32>,
        %swap3A_241 = vector.shape_cast %swap3A_240 : vector<16xf32> to vector<16xf32>
        %swap3A_242 = vector.shape_cast %mul3A_238 : vector<16xf32> to vector<16xf32>
        tpu.vector_store %arg11[%swap3A_239], %swap3A_242 {strides = array<i32>} : memref<4720xf32, #tpu.memory_space<vmem>>, vector<16xf32>,
        %swap3A_243 = arith.index_cast %mul3A_211 : i32 to index
        %swap3A_244 = tpu.vector_load %arg12[%swap3A_243] {strides = array<i32>} : memref<4720xf32, #tpu.memory_space<vmem>>, vector<16xf32>,
        %swap3A_245 = vector.shape_cast %swap3A_244 : vector<16xf32> to vector<16xf32>
        %swap3A_246 = vector.shape_cast %get3A_216 : vector<16xf32> to vector<16xf32>
        tpu.vector_store %arg12[%swap3A_243], %swap3A_246 {strides = array<i32>} : memref<4720xf32, #tpu.memory_space<vmem>>, vector<16xf32>,
      }
      %scan3A_101 = arith.constant 295 : i32
      %mul3A_102 = arith.constant 4 : i32
      %mul3A_103 = arith.muli %mul3A_102, %add3A_74 : i32
      %add3A_104 = arith.constant 0 : i32
      %add3A_105 = arith.addi %mul3A_103, %add3A_104 : i32
      %mul3A_106 = arith.constant 150048 : i32
      %mul3A_107 = arith.muli %add3A_105, %mul3A_106 : i32
      %add3A_108 = arith.addi %mul3A_107, %mul3A_2 : i32
      %dma_start3A_109 = tpu.memref_slice %arg4[%add3A_108] : memref<4801536xf32, #tpu.memory_space<hbm>> -> memref<4720xf32, #tpu.memory_space<hbm>>
      %dma_start3A_110 = tpu.memref_slice %arg4[%add3A_108] : memref<4801536xf32, #tpu.memory_space<hbm>> -> memref<4720xf32, #tpu.memory_space<hbm>>
      tpu.enqueue_dma source(%arg9 : memref<4720xf32, #tpu.memory_space<vmem>>) target(%dma_start3A_110 : memref<4720xf32, #tpu.memory_space<hbm>>) target_semaphore(%arg22 : memref<!tpu.dma_semaphore, #tpu.memory_space<semaphore_mem>>)
      %mul3A_111 = arith.constant 4 : i32
      %mul3A_112 = arith.muli %mul3A_111, %add3A_74 : i32
      %add3A_113 = arith.constant 1 : i32
      %add3A_114 = arith.addi %mul3A_112, %add3A_113 : i32
      %mul3A_115 = arith.constant 150048 : i32
      %mul3A_116 = arith.muli %add3A_114, %mul3A_115 : i32
      %add3A_117 = arith.addi %mul3A_116, %mul3A_2 : i32
      %dma_start3A_118 = tpu.memref_slice %arg4[%add3A_117] : memref<4801536xf32, #tpu.memory_space<hbm>> -> memref<4720xf32, #tpu.memory_space<hbm>>
      %dma_start3A_119 = tpu.memref_slice %arg4[%add3A_117] : memref<4801536xf32, #tpu.memory_space<hbm>> -> memref<4720xf32, #tpu.memory_space<hbm>>
      tpu.enqueue_dma source(%arg10 : memref<4720xf32, #tpu.memory_space<vmem>>) target(%dma_start3A_119 : memref<4720xf32, #tpu.memory_space<hbm>>) target_semaphore(%arg22 : memref<!tpu.dma_semaphore, #tpu.memory_space<semaphore_mem>>)
      %mul3A_120 = arith.constant 4 : i32
      %mul3A_121 = arith.muli %mul3A_120, %add3A_74 : i32
      %add3A_122 = arith.constant 2 : i32
      %add3A_123 = arith.addi %mul3A_121, %add3A_122 : i32
      %mul3A_124 = arith.constant 150048 : i32
      %mul3A_125 = arith.muli %add3A_123, %mul3A_124 : i32
      %add3A_126 = arith.addi %mul3A_125, %mul3A_2 : i32
      %dma_start3A_127 = tpu.memref_slice %arg4[%add3A_126] : memref<4801536xf32, #tpu.memory_space<hbm>> -> memref<4720xf32, #tpu.memory_space<hbm>>
      %dma_start3A_128 = tpu.memref_slice %arg4[%add3A_126] : memref<4801536xf32, #tpu.memory_space<hbm>> -> memref<4720xf32, #tpu.memory_space<hbm>>
      tpu.enqueue_dma source(%arg11 : memref<4720xf32, #tpu.memory_space<vmem>>) target(%dma_start3A_128 : memref<4720xf32, #tpu.memory_space<hbm>>) target_semaphore(%arg22 : memref<!tpu.dma_semaphore, #tpu.memory_space<semaphore_mem>>)
      %mul3A_129 = arith.constant 4 : i32
      %mul3A_130 = arith.muli %mul3A_129, %add3A_74 : i32
      %add3A_131 = arith.constant 3 : i32
      %add3A_132 = arith.addi %mul3A_130, %add3A_131 : i32
      %mul3A_133 = arith.constant 150048 : i32
      %mul3A_134 = arith.muli %add3A_132, %mul3A_133 : i32
      %add3A_135 = arith.addi %mul3A_134, %mul3A_2 : i32
      %dma_start3A_136 = tpu.memref_slice %arg4[%add3A_135] : memref<4801536xf32, #tpu.memory_space<hbm>> -> memref<4720xf32, #tpu.memory_space<hbm>>
      %dma_start3A_137 = tpu.memref_slice %arg4[%add3A_135] : memref<4801536xf32, #tpu.memory_space<hbm>> -> memref<4720xf32, #tpu.memory_space<hbm>>
      tpu.enqueue_dma source(%arg12 : memref<4720xf32, #tpu.memory_space<vmem>>) target(%dma_start3A_137 : memref<4720xf32, #tpu.memory_space<hbm>>) target_semaphore(%arg22 : memref<!tpu.dma_semaphore, #tpu.memory_space<semaphore_mem>>)
      %mul3A_138 = arith.constant 2 : i32
      %mul3A_139 = arith.muli %mul3A_138, %scan3A_70 : i32
      %add3A_140 = arith.constant 1 : i32
      %add3A_141 = arith.addi %mul3A_139, %add3A_140 : i32
      %add3A_142 = arith.constant 56 : i32
      %add3A_143 = arith.addi %add3A_141, %add3A_142 : i32
      %mul3A_144 = arith.constant 2 : i32
      %mul3A_145 = arith.muli %mul3A_144, %add3A_143 : i32
      %mul3A_146 = arith.constant 150048 : i32
      %mul3A_147 = arith.muli %mul3A_145, %mul3A_146 : i32
      %add3A_148 = arith.addi %mul3A_147, %mul3A_2 : i32
      %dma_wait3A_149 = tpu.memref_slice %arg2[%add3A_148] : memref<19206144xf32, #tpu.memory_space<hbm>> -> memref<4720xf32, #tpu.memory_space<hbm>>
      %dma_wait3A_150 = tpu.memref_slice %arg2[%add3A_148] : memref<19206144xf32, #tpu.memory_space<hbm>> -> memref<4720xf32, #tpu.memory_space<hbm>>
      tpu.wait_dma2 semaphore(%arg21 : memref<!tpu.dma_semaphore, #tpu.memory_space<semaphore_mem>>) src(%dma_wait3A_150 : memref<4720xf32, #tpu.memory_space<hbm>>) dst(%arg7 : memref<4720xf32, #tpu.memory_space<vmem>>)
      %add3A_151 = arith.constant 150048 : i32
      %add3A_152 = arith.addi %add3A_148, %add3A_151 : i32
      %dma_wait3A_153 = tpu.memref_slice %arg2[%add3A_152] : memref<19206144xf32, #tpu.memory_space<hbm>> -> memref<4720xf32, #tpu.memory_space<hbm>>
      %dma_wait3A_154 = tpu.memref_slice %arg2[%add3A_152] : memref<19206144xf32, #tpu.memory_space<hbm>> -> memref<4720xf32, #tpu.memory_space<hbm>>
      tpu.wait_dma2 semaphore(%arg21 : memref<!tpu.dma_semaphore, #tpu.memory_space<semaphore_mem>>) src(%dma_wait3A_154 : memref<4720xf32, #tpu.memory_space<hbm>>) dst(%arg8 : memref<4720xf32, #tpu.memory_space<vmem>>)
      %add3A_155 = arith.constant 1 : i32
      %add3A_156 = arith.addi %add3A_141, %add3A_155 : i32
      %lt3A_157 = arith.constant 8 : i32
      %lt3A_158 = arith.cmpi slt, %add3A_156, %lt3A_157 : i32
      %convert_element_type3A_159 = arith.extui %lt3A_158 : i1 to i32
      %cond3A_160 = arith.constant 0 : i32
      %cond3A_161 = arith.cmpi ne, %convert_element_type3A_159, %cond3A_160 : i32
      scf.if %cond3A_161 {
        %add3A_209 = arith.constant 1 : i32
        %add3A_210 = arith.addi %add3A_141, %add3A_209 : i32
        %add3A_211 = arith.constant 56 : i32
        %add3A_212 = arith.addi %add3A_210, %add3A_211 : i32
        %mul3A_213 = arith.constant 2 : i32
        %mul3A_214 = arith.muli %mul3A_213, %add3A_212 : i32
        %mul3A_215 = arith.constant 150048 : i32
        %mul3A_216 = arith.muli %mul3A_214, %mul3A_215 : i32
        %add3A_217 = arith.addi %mul3A_216, %mul3A_2 : i32
        %dma_start3A_218 = tpu.memref_slice %arg2[%add3A_217] : memref<19206144xf32, #tpu.memory_space<hbm>> -> memref<4720xf32, #tpu.memory_space<hbm>>
        %dma_start3A_219 = tpu.memref_slice %arg2[%add3A_217] : memref<19206144xf32, #tpu.memory_space<hbm>> -> memref<4720xf32, #tpu.memory_space<hbm>>
        tpu.enqueue_dma source(%dma_start3A_219 : memref<4720xf32, #tpu.memory_space<hbm>>) target(%arg5 : memref<4720xf32, #tpu.memory_space<vmem>>) target_semaphore(%arg20 : memref<!tpu.dma_semaphore, #tpu.memory_space<semaphore_mem>>)
        %add3A_220 = arith.constant 150048 : i32
        %add3A_221 = arith.addi %add3A_217, %add3A_220 : i32
        %dma_start3A_222 = tpu.memref_slice %arg2[%add3A_221] : memref<19206144xf32, #tpu.memory_space<hbm>> -> memref<4720xf32, #tpu.memory_space<hbm>>
        %dma_start3A_223 = tpu.memref_slice %arg2[%add3A_221] : memref<19206144xf32, #tpu.memory_space<hbm>> -> memref<4720xf32, #tpu.memory_space<hbm>>
        tpu.enqueue_dma source(%dma_start3A_223 : memref<4720xf32, #tpu.memory_space<hbm>>) target(%arg6 : memref<4720xf32, #tpu.memory_space<vmem>>) target_semaphore(%arg20 : memref<!tpu.dma_semaphore, #tpu.memory_space<semaphore_mem>>)
      } else {
      }
      %ge3A_162 = arith.constant 2 : i32
      %ge3A_163 = arith.cmpi sge, %add3A_141, %ge3A_162 : i32
      %convert_element_type3A_164 = arith.extui %ge3A_163 : i1 to i32
      %cond3A_165 = arith.constant 0 : i32
      %cond3A_166 = arith.cmpi ne, %convert_element_type3A_164, %cond3A_165 : i32
      scf.if %cond3A_166 {
        %sub3A = arith.constant 2 : i32
        %sub3A_209 = arith.subi %add3A_141, %sub3A : i32
        %mul3A_210 = arith.constant 4 : i32
        %mul3A_211 = arith.muli %mul3A_210, %sub3A_209 : i32
        %add3A_212 = arith.constant 0 : i32
        %add3A_213 = arith.addi %mul3A_211, %add3A_212 : i32
        %mul3A_214 = arith.constant 150048 : i32
        %mul3A_215 = arith.muli %add3A_213, %mul3A_214 : i32
        %add3A_216 = arith.addi %mul3A_215, %mul3A_2 : i32
        %dma_wait3A_217 = tpu.memref_slice %arg4[%add3A_216] : memref<4801536xf32, #tpu.memory_space<hbm>> -> memref<4720xf32, #tpu.memory_space<hbm>>
        %dma_wait3A_218 = tpu.memref_slice %arg4[%add3A_216] : memref<4801536xf32, #tpu.memory_space<hbm>> -> memref<4720xf32, #tpu.memory_space<hbm>>
        tpu.wait_dma2 semaphore(%arg23 : memref<!tpu.dma_semaphore, #tpu.memory_space<semaphore_mem>>) src(%arg13 : memref<4720xf32, #tpu.memory_space<vmem>>) dst(%dma_wait3A_218 : memref<4720xf32, #tpu.memory_space<hbm>>)
        %mul3A_219 = arith.constant 4 : i32
        %mul3A_220 = arith.muli %mul3A_219, %sub3A_209 : i32
        %add3A_221 = arith.constant 1 : i32
        %add3A_222 = arith.addi %mul3A_220, %add3A_221 : i32
        %mul3A_223 = arith.constant 150048 : i32
        %mul3A_224 = arith.muli %add3A_222, %mul3A_223 : i32
        %add3A_225 = arith.addi %mul3A_224, %mul3A_2 : i32
        %dma_wait3A_226 = tpu.memref_slice %arg4[%add3A_225] : memref<4801536xf32, #tpu.memory_space<hbm>> -> memref<4720xf32, #tpu.memory_space<hbm>>
        %dma_wait3A_227 = tpu.memref_slice %arg4[%add3A_225] : memref<4801536xf32, #tpu.memory_space<hbm>> -> memref<4720xf32, #tpu.memory_space<hbm>>
        tpu.wait_dma2 semaphore(%arg23 : memref<!tpu.dma_semaphore, #tpu.memory_space<semaphore_mem>>) src(%arg14 : memref<4720xf32, #tpu.memory_space<vmem>>) dst(%dma_wait3A_227 : memref<4720xf32, #tpu.memory_space<hbm>>)
        %mul3A_228 = arith.constant 4 : i32
        %mul3A_229 = arith.muli %mul3A_228, %sub3A_209 : i32
        %add3A_230 = arith.constant 2 : i32
        %add3A_231 = arith.addi %mul3A_229, %add3A_230 : i32
        %mul3A_232 = arith.constant 150048 : i32
        %mul3A_233 = arith.muli %add3A_231, %mul3A_232 : i32
        %add3A_234 = arith.addi %mul3A_233, %mul3A_2 : i32
        %dma_wait3A_235 = tpu.memref_slice %arg4[%add3A_234] : memref<4801536xf32, #tpu.memory_space<hbm>> -> memref<4720xf32, #tpu.memory_space<hbm>>
        %dma_wait3A_236 = tpu.memref_slice %arg4[%add3A_234] : memref<4801536xf32, #tpu.memory_space<hbm>> -> memref<4720xf32, #tpu.memory_space<hbm>>
        tpu.wait_dma2 semaphore(%arg23 : memref<!tpu.dma_semaphore, #tpu.memory_space<semaphore_mem>>) src(%arg15 : memref<4720xf32, #tpu.memory_space<vmem>>) dst(%dma_wait3A_236 : memref<4720xf32, #tpu.memory_space<hbm>>)
        %mul3A_237 = arith.constant 4 : i32
        %mul3A_238 = arith.muli %mul3A_237, %sub3A_209 : i32
        %add3A_239 = arith.constant 3 : i32
        %add3A_240 = arith.addi %mul3A_238, %add3A_239 : i32
        %mul3A_241 = arith.constant 150048 : i32
        %mul3A_242 = arith.muli %add3A_240, %mul3A_241 : i32
        %add3A_243 = arith.addi %mul3A_242, %mul3A_2 : i32
        %dma_wait3A_244 = tpu.memref_slice %arg4[%add3A_243] : memref<4801536xf32, #tpu.memory_space<hbm>> -> memref<4720xf32, #tpu.memory_space<hbm>>
        %dma_wait3A_245 = tpu.memref_slice %arg4[%add3A_243] : memref<4801536xf32, #tpu.memory_space<hbm>> -> memref<4720xf32, #tpu.memory_space<hbm>>
        tpu.wait_dma2 semaphore(%arg23 : memref<!tpu.dma_semaphore, #tpu.memory_space<semaphore_mem>>) src(%arg16 : memref<4720xf32, #tpu.memory_space<vmem>>) dst(%dma_wait3A_245 : memref<4720xf32, #tpu.memory_space<hbm>>)
      } else {
      }
      %scan3A_167 = arith.constant 0 : i32
      %scan3A_168 = arith.constant 0 : i32
      %scan3A_169 = arith.constant 295 : i32
      %scan3A_170 = arith.addi %scan3A_168, %scan3A_169 : i32
      %scan3A_171 = arith.constant 1 : i32
      scf.for %scan3A_209 = %scan3A_168 to %scan3A_170 step %scan3A_171  : i32 {
        %mul3A_210 = arith.constant 16 : i32
        %mul3A_211 = arith.muli %scan3A_209, %mul3A_210 : i32
        %get3A = arith.index_cast %mul3A_211 : i32 to index
        %get3A_212 = tpu.vector_load %arg7[%get3A] {strides = array<i32>} : memref<4720xf32, #tpu.memory_space<vmem>>, vector<16xf32>,
        %get3A_213 = vector.shape_cast %get3A_212 : vector<16xf32> to vector<16xf32>
        %get3A_214 = arith.index_cast %mul3A_211 : i32 to index
        %get3A_215 = tpu.vector_load %arg8[%get3A_214] {strides = array<i32>} : memref<4720xf32, #tpu.memory_space<vmem>>, vector<16xf32>,
        %get3A_216 = vector.shape_cast %get3A_215 : vector<16xf32> to vector<16xf32>
        %ge3A_217 = arith.constant 5.000000e-01 : f32
        %ge3A_218 = vector.broadcast %ge3A_217 : f32 to vector<16xf32>
        %ge3A_219 = arith.cmpf oge, %get3A_216, %ge3A_218 : vector<16xf32>
        %jit3A = arith.constant 0.000000e+00 : f32
        %broadcast_in_dim3A = vector.broadcast %jit3A : f32 to vector<16xf32>
        %select_n3A = arith.select %ge3A_219, %get3A_213, %broadcast_in_dim3A : vector<16xi1>, vector<16xf32>
        %get3A_220 = arith.index_cast %mul3A_211 : i32 to index
        %get3A_221 = tpu.vector_load %arg17[%get3A_220] {strides = array<i32>} : memref<4720xf32, #tpu.memory_space<vmem>>, vector<16xf32>,
        %get3A_222 = vector.shape_cast %get3A_221 : vector<16xf32> to vector<16xf32>
        %mul3A_223 = arith.mulf %select_n3A, %get3A_222 : vector<16xf32>
        %swap3A = arith.index_cast %mul3A_211 : i32 to index
        %swap3A_224 = tpu.vector_load %arg13[%swap3A] {strides = array<i32>} : memref<4720xf32, #tpu.memory_space<vmem>>, vector<16xf32>,
        %swap3A_225 = vector.shape_cast %swap3A_224 : vector<16xf32> to vector<16xf32>
        %swap3A_226 = vector.shape_cast %mul3A_223 : vector<16xf32> to vector<16xf32>
        tpu.vector_store %arg13[%swap3A], %swap3A_226 {strides = array<i32>} : memref<4720xf32, #tpu.memory_space<vmem>>, vector<16xf32>,
        %get3A_227 = arith.index_cast %mul3A_211 : i32 to index
        %get3A_228 = tpu.vector_load %arg18[%get3A_227] {strides = array<i32>} : memref<4720xf32, #tpu.memory_space<vmem>>, vector<16xf32>,
        %get3A_229 = vector.shape_cast %get3A_228 : vector<16xf32> to vector<16xf32>
        %mul3A_230 = arith.mulf %select_n3A, %get3A_229 : vector<16xf32>
        %swap3A_231 = arith.index_cast %mul3A_211 : i32 to index
        %swap3A_232 = tpu.vector_load %arg14[%swap3A_231] {strides = array<i32>} : memref<4720xf32, #tpu.memory_space<vmem>>, vector<16xf32>,
        %swap3A_233 = vector.shape_cast %swap3A_232 : vector<16xf32> to vector<16xf32>
        %swap3A_234 = vector.shape_cast %mul3A_230 : vector<16xf32> to vector<16xf32>
        tpu.vector_store %arg14[%swap3A_231], %swap3A_234 {strides = array<i32>} : memref<4720xf32, #tpu.memory_space<vmem>>, vector<16xf32>,
        %get3A_235 = arith.index_cast %mul3A_211 : i32 to index
        %get3A_236 = tpu.vector_load %arg19[%get3A_235] {strides = array<i32>} : memref<4720xf32, #tpu.memory_space<vmem>>, vector<16xf32>,
        %get3A_237 = vector.shape_cast %get3A_236 : vector<16xf32> to vector<16xf32>
        %mul3A_238 = arith.mulf %select_n3A, %get3A_237 : vector<16xf32>
        %swap3A_239 = arith.index_cast %mul3A_211 : i32 to index
        %swap3A_240 = tpu.vector_load %arg15[%swap3A_239] {strides = array<i32>} : memref<4720xf32, #tpu.memory_space<vmem>>, vector<16xf32>,
        %swap3A_241 = vector.shape_cast %swap3A_240 : vector<16xf32> to vector<16xf32>
        %swap3A_242 = vector.shape_cast %mul3A_238 : vector<16xf32> to vector<16xf32>
        tpu.vector_store %arg15[%swap3A_239], %swap3A_242 {strides = array<i32>} : memref<4720xf32, #tpu.memory_space<vmem>>, vector<16xf32>,
        %swap3A_243 = arith.index_cast %mul3A_211 : i32 to index
        %swap3A_244 = tpu.vector_load %arg16[%swap3A_243] {strides = array<i32>} : memref<4720xf32, #tpu.memory_space<vmem>>, vector<16xf32>,
        %swap3A_245 = vector.shape_cast %swap3A_244 : vector<16xf32> to vector<16xf32>
        %swap3A_246 = vector.shape_cast %get3A_216 : vector<16xf32> to vector<16xf32>
        tpu.vector_store %arg16[%swap3A_243], %swap3A_246 {strides = array<i32>} : memref<4720xf32, #tpu.memory_space<vmem>>, vector<16xf32>,
      }
      %scan3A_172 = arith.constant 295 : i32
      %mul3A_173 = arith.constant 4 : i32
      %mul3A_174 = arith.muli %mul3A_173, %add3A_141 : i32
      %add3A_175 = arith.constant 0 : i32
      %add3A_176 = arith.addi %mul3A_174, %add3A_175 : i32
      %mul3A_177 = arith.constant 150048 : i32
      %mul3A_178 = arith.muli %add3A_176, %mul3A_177 : i32
      %add3A_179 = arith.addi %mul3A_178, %mul3A_2 : i32
      %dma_start3A_180 = tpu.memref_slice %arg4[%add3A_179] : memref<4801536xf32, #tpu.memory_space<hbm>> -> memref<4720xf32, #tpu.memory_space<hbm>>
      %dma_start3A_181 = tpu.memref_slice %arg4[%add3A_179] : memref<4801536xf32, #tpu.memory_space<hbm>> -> memref<4720xf32, #tpu.memory_space<hbm>>
      tpu.enqueue_dma source(%arg13 : memref<4720xf32, #tpu.memory_space<vmem>>) target(%dma_start3A_181 : memref<4720xf32, #tpu.memory_space<hbm>>) target_semaphore(%arg23 : memref<!tpu.dma_semaphore, #tpu.memory_space<semaphore_mem>>)
      %mul3A_182 = arith.constant 4 : i32
      %mul3A_183 = arith.muli %mul3A_182, %add3A_141 : i32
      %add3A_184 = arith.constant 1 : i32
      %add3A_185 = arith.addi %mul3A_183, %add3A_184 : i32
      %mul3A_186 = arith.constant 150048 : i32
      %mul3A_187 = arith.muli %add3A_185, %mul3A_186 : i32
      %add3A_188 = arith.addi %mul3A_187, %mul3A_2 : i32
      %dma_start3A_189 = tpu.memref_slice %arg4[%add3A_188] : memref<4801536xf32, #tpu.memory_space<hbm>> -> memref<4720xf32, #tpu.memory_space<hbm>>
      %dma_start3A_190 = tpu.memref_slice %arg4[%add3A_188] : memref<4801536xf32, #tpu.memory_space<hbm>> -> memref<4720xf32, #tpu.memory_space<hbm>>
      tpu.enqueue_dma source(%arg14 : memref<4720xf32, #tpu.memory_space<vmem>>) target(%dma_start3A_190 : memref<4720xf32, #tpu.memory_space<hbm>>) target_semaphore(%arg23 : memref<!tpu.dma_semaphore, #tpu.memory_space<semaphore_mem>>)
      %mul3A_191 = arith.constant 4 : i32
      %mul3A_192 = arith.muli %mul3A_191, %add3A_141 : i32
      %add3A_193 = arith.constant 2 : i32
      %add3A_194 = arith.addi %mul3A_192, %add3A_193 : i32
      %mul3A_195 = arith.constant 150048 : i32
      %mul3A_196 = arith.muli %add3A_194, %mul3A_195 : i32
      %add3A_197 = arith.addi %mul3A_196, %mul3A_2 : i32
      %dma_start3A_198 = tpu.memref_slice %arg4[%add3A_197] : memref<4801536xf32, #tpu.memory_space<hbm>> -> memref<4720xf32, #tpu.memory_space<hbm>>
      %dma_start3A_199 = tpu.memref_slice %arg4[%add3A_197] : memref<4801536xf32, #tpu.memory_space<hbm>> -> memref<4720xf32, #tpu.memory_space<hbm>>
      tpu.enqueue_dma source(%arg15 : memref<4720xf32, #tpu.memory_space<vmem>>) target(%dma_start3A_199 : memref<4720xf32, #tpu.memory_space<hbm>>) target_semaphore(%arg23 : memref<!tpu.dma_semaphore, #tpu.memory_space<semaphore_mem>>)
      %mul3A_200 = arith.constant 4 : i32
      %mul3A_201 = arith.muli %mul3A_200, %add3A_141 : i32
      %add3A_202 = arith.constant 3 : i32
      %add3A_203 = arith.addi %mul3A_201, %add3A_202 : i32
      %mul3A_204 = arith.constant 150048 : i32
      %mul3A_205 = arith.muli %add3A_203, %mul3A_204 : i32
      %add3A_206 = arith.addi %mul3A_205, %mul3A_2 : i32
      %dma_start3A_207 = tpu.memref_slice %arg4[%add3A_206] : memref<4801536xf32, #tpu.memory_space<hbm>> -> memref<4720xf32, #tpu.memory_space<hbm>>
      %dma_start3A_208 = tpu.memref_slice %arg4[%add3A_206] : memref<4801536xf32, #tpu.memory_space<hbm>> -> memref<4720xf32, #tpu.memory_space<hbm>>
      tpu.enqueue_dma source(%arg16 : memref<4720xf32, #tpu.memory_space<vmem>>) target(%dma_start3A_208 : memref<4720xf32, #tpu.memory_space<hbm>>) target_semaphore(%arg23 : memref<!tpu.dma_semaphore, #tpu.memory_space<semaphore_mem>>)
    }
    %scan3A_37 = arith.constant 4 : i32
    %add3A_38 = arith.constant 3601152 : i32
    %add3A_39 = arith.addi %add3A_38, %mul3A_2 : i32
    %dma_wait3A_40 = tpu.memref_slice %arg4[%add3A_39] : memref<4801536xf32, #tpu.memory_space<hbm>> -> memref<4720xf32, #tpu.memory_space<hbm>>
    %dma_wait3A_41 = tpu.memref_slice %arg4[%add3A_39] : memref<4801536xf32, #tpu.memory_space<hbm>> -> memref<4720xf32, #tpu.memory_space<hbm>>
    tpu.wait_dma2 semaphore(%arg22 : memref<!tpu.dma_semaphore, #tpu.memory_space<semaphore_mem>>) src(%arg9 : memref<4720xf32, #tpu.memory_space<vmem>>) dst(%dma_wait3A_41 : memref<4720xf32, #tpu.memory_space<hbm>>)
    %add3A_42 = arith.constant 3751200 : i32
    %add3A_43 = arith.addi %add3A_42, %mul3A_2 : i32
    %dma_wait3A_44 = tpu.memref_slice %arg4[%add3A_43] : memref<4801536xf32, #tpu.memory_space<hbm>> -> memref<4720xf32, #tpu.memory_space<hbm>>
    %dma_wait3A_45 = tpu.memref_slice %arg4[%add3A_43] : memref<4801536xf32, #tpu.memory_space<hbm>> -> memref<4720xf32, #tpu.memory_space<hbm>>
    tpu.wait_dma2 semaphore(%arg22 : memref<!tpu.dma_semaphore, #tpu.memory_space<semaphore_mem>>) src(%arg10 : memref<4720xf32, #tpu.memory_space<vmem>>) dst(%dma_wait3A_45 : memref<4720xf32, #tpu.memory_space<hbm>>)
    %add3A_46 = arith.constant 3901248 : i32
    %add3A_47 = arith.addi %add3A_46, %mul3A_2 : i32
    %dma_wait3A_48 = tpu.memref_slice %arg4[%add3A_47] : memref<4801536xf32, #tpu.memory_space<hbm>> -> memref<4720xf32, #tpu.memory_space<hbm>>
    %dma_wait3A_49 = tpu.memref_slice %arg4[%add3A_47] : memref<4801536xf32, #tpu.memory_space<hbm>> -> memref<4720xf32, #tpu.memory_space<hbm>>
    tpu.wait_dma2 semaphore(%arg22 : memref<!tpu.dma_semaphore, #tpu.memory_space<semaphore_mem>>) src(%arg11 : memref<4720xf32, #tpu.memory_space<vmem>>) dst(%dma_wait3A_49 : memref<4720xf32, #tpu.memory_space<hbm>>)
    %add3A_50 = arith.constant 4051296 : i32
    %add3A_51 = arith.addi %add3A_50, %mul3A_2 : i32
    %dma_wait3A_52 = tpu.memref_slice %arg4[%add3A_51] : memref<4801536xf32, #tpu.memory_space<hbm>> -> memref<4720xf32, #tpu.memory_space<hbm>>
    %dma_wait3A_53 = tpu.memref_slice %arg4[%add3A_51] : memref<4801536xf32, #tpu.memory_space<hbm>> -> memref<4720xf32, #tpu.memory_space<hbm>>
    tpu.wait_dma2 semaphore(%arg22 : memref<!tpu.dma_semaphore, #tpu.memory_space<semaphore_mem>>) src(%arg12 : memref<4720xf32, #tpu.memory_space<vmem>>) dst(%dma_wait3A_53 : memref<4720xf32, #tpu.memory_space<hbm>>)
    %add3A_54 = arith.constant 4201344 : i32
    %add3A_55 = arith.addi %add3A_54, %mul3A_2 : i32
    %dma_wait3A_56 = tpu.memref_slice %arg4[%add3A_55] : memref<4801536xf32, #tpu.memory_space<hbm>> -> memref<4720xf32, #tpu.memory_space<hbm>>
    %dma_wait3A_57 = tpu.memref_slice %arg4[%add3A_55] : memref<4801536xf32, #tpu.memory_space<hbm>> -> memref<4720xf32, #tpu.memory_space<hbm>>
    tpu.wait_dma2 semaphore(%arg23 : memref<!tpu.dma_semaphore, #tpu.memory_space<semaphore_mem>>) src(%arg13 : memref<4720xf32, #tpu.memory_space<vmem>>) dst(%dma_wait3A_57 : memref<4720xf32, #tpu.memory_space<hbm>>)
    %add3A_58 = arith.constant 4351392 : i32
    %add3A_59 = arith.addi %add3A_58, %mul3A_2 : i32
    %dma_wait3A_60 = tpu.memref_slice %arg4[%add3A_59] : memref<4801536xf32, #tpu.memory_space<hbm>> -> memref<4720xf32, #tpu.memory_space<hbm>>
    %dma_wait3A_61 = tpu.memref_slice %arg4[%add3A_59] : memref<4801536xf32, #tpu.memory_space<hbm>> -> memref<4720xf32, #tpu.memory_space<hbm>>
    tpu.wait_dma2 semaphore(%arg23 : memref<!tpu.dma_semaphore, #tpu.memory_space<semaphore_mem>>) src(%arg14 : memref<4720xf32, #tpu.memory_space<vmem>>) dst(%dma_wait3A_61 : memref<4720xf32, #tpu.memory_space<hbm>>)
    %add3A_62 = arith.constant 4501440 : i32
    %add3A_63 = arith.addi %add3A_62, %mul3A_2 : i32
    %dma_wait3A_64 = tpu.memref_slice %arg4[%add3A_63] : memref<4801536xf32, #tpu.memory_space<hbm>> -> memref<4720xf32, #tpu.memory_space<hbm>>
    %dma_wait3A_65 = tpu.memref_slice %arg4[%add3A_63] : memref<4801536xf32, #tpu.memory_space<hbm>> -> memref<4720xf32, #tpu.memory_space<hbm>>
    tpu.wait_dma2 semaphore(%arg23 : memref<!tpu.dma_semaphore, #tpu.memory_space<semaphore_mem>>) src(%arg15 : memref<4720xf32, #tpu.memory_space<vmem>>) dst(%dma_wait3A_65 : memref<4720xf32, #tpu.memory_space<hbm>>)
    %add3A_66 = arith.constant 4651488 : i32
    %add3A_67 = arith.addi %add3A_66, %mul3A_2 : i32
    %dma_wait3A_68 = tpu.memref_slice %arg4[%add3A_67] : memref<4801536xf32, #tpu.memory_space<hbm>> -> memref<4720xf32, #tpu.memory_space<hbm>>
    %dma_wait3A_69 = tpu.memref_slice %arg4[%add3A_67] : memref<4801536xf32, #tpu.memory_space<hbm>> -> memref<4720xf32, #tpu.memory_space<hbm>>
    tpu.wait_dma2 semaphore(%arg23 : memref<!tpu.dma_semaphore, #tpu.memory_space<semaphore_mem>>) src(%arg16 : memref<4720xf32, #tpu.memory_space<vmem>>) dst(%dma_wait3A_69 : memref<4720xf32, #tpu.memory_space<hbm>>)
    return
  }
}

module attributes {stable_mosaic.version = 14 : i64} {
  func.func @_tc_xyz(%arg0: i32, %arg1: memref<8x2x72x2084xf32, #tpu.memory_space<vmem>>, %arg2: memref<3x72x2084xf32, #tpu.memory_space<vmem>>, %arg3: memref<8x4x72x2084xf32, #tpu.memory_space<vmem>>) attributes {dimension_semantics = [#tpu.dimension_semantics<arbitrary>], iteration_bounds = array<i64: 7>, scalar_prefetch = 0 : i64, scratch_operands = 0 : i64, tpu.core_type = #tpu.core_type<tc>, window_params = [{transform_indices = @transform_0, window_bounds = array<i64: 8, 2, 72, 2084>}, {pipeline_mode = #tpu.pipeline_mode<synchronous>, transform_indices = @transform_1, window_bounds = array<i64: 3, 72, 2084>}, {transform_indices = @transform_2, window_bounds = array<i64: 8, 4, 72, 2084>}]} {
    %get3A = arith.constant 0 : index
    %get3A_0 = arith.constant 0 : index
    %get3A_1 = arith.constant 0 : index
    %get3A_2 = arith.constant 0 : index
    %get3A_3 = vector.load %arg1[%get3A, %get3A_0, %get3A_1, %get3A_2] : memref<8x2x72x2084xf32, #tpu.memory_space<vmem>>, vector<1x1x72x2084xf32>
    %get3A_4 = vector.shape_cast %get3A_3 : vector<1x1x72x2084xf32> to vector<72x2084xf32>
    %get3A_5 = arith.constant 0 : index
    %get3A_6 = arith.constant 1 : index
    %get3A_7 = arith.constant 0 : index
    %get3A_8 = arith.constant 0 : index
    %get3A_9 = vector.load %arg1[%get3A_5, %get3A_6, %get3A_7, %get3A_8] : memref<8x2x72x2084xf32, #tpu.memory_space<vmem>>, vector<1x1x72x2084xf32>
    %get3A_10 = vector.shape_cast %get3A_9 : vector<1x1x72x2084xf32> to vector<72x2084xf32>
    %ge3A = arith.constant 5.000000e-01 : f32
    %ge3A_11 = vector.broadcast %ge3A : f32 to vector<72x2084xf32>
    %ge3A_12 = arith.cmpf oge, %get3A_10, %ge3A_11 : vector<72x2084xf32>
    %jit3A = arith.constant 0.000000e+00 : f32
    %broadcast_in_dim3A = vector.broadcast %jit3A : f32 to vector<72x2084xf32>
    %select_n3A = arith.select %ge3A_12, %get3A_4, %broadcast_in_dim3A : vector<72x2084xi1>, vector<72x2084xf32>
    %get3A_13 = arith.constant 0 : index
    %get3A_14 = arith.constant 0 : index
    %get3A_15 = arith.constant 0 : index
    %get3A_16 = vector.load %arg2[%get3A_13, %get3A_14, %get3A_15] : memref<3x72x2084xf32, #tpu.memory_space<vmem>>, vector<1x72x2084xf32>
    %get3A_17 = vector.shape_cast %get3A_16 : vector<1x72x2084xf32> to vector<72x2084xf32>
    %mul3A = arith.mulf %select_n3A, %get3A_17 : vector<72x2084xf32>
    %swap3A = arith.constant 0 : index
    %swap3A_18 = arith.constant 0 : index
    %swap3A_19 = arith.constant 0 : index
    %swap3A_20 = arith.constant 0 : index
    %swap3A_21 = vector.load %arg3[%swap3A, %swap3A_18, %swap3A_19, %swap3A_20] : memref<8x4x72x2084xf32, #tpu.memory_space<vmem>>, vector<1x1x72x2084xf32>
    %swap3A_22 = vector.shape_cast %swap3A_21 : vector<1x1x72x2084xf32> to vector<72x2084xf32>
    %swap3A_23 = vector.shape_cast %mul3A : vector<72x2084xf32> to vector<1x1x72x2084xf32>
    tpu.vector_store %arg3[%swap3A, %swap3A_18, %swap3A_19, %swap3A_20], %swap3A_23 {strides = array<i32>} : memref<8x4x72x2084xf32, #tpu.memory_space<vmem>>, vector<1x1x72x2084xf32>,
    %get3A_24 = arith.constant 1 : index
    %get3A_25 = arith.constant 0 : index
    %get3A_26 = arith.constant 0 : index
    %get3A_27 = vector.load %arg2[%get3A_24, %get3A_25, %get3A_26] : memref<3x72x2084xf32, #tpu.memory_space<vmem>>, vector<1x72x2084xf32>
    %get3A_28 = vector.shape_cast %get3A_27 : vector<1x72x2084xf32> to vector<72x2084xf32>
    %mul3A_29 = arith.mulf %select_n3A, %get3A_28 : vector<72x2084xf32>
    %swap3A_30 = arith.constant 0 : index
    %swap3A_31 = arith.constant 1 : index
    %swap3A_32 = arith.constant 0 : index
    %swap3A_33 = arith.constant 0 : index
    %swap3A_34 = vector.load %arg3[%swap3A_30, %swap3A_31, %swap3A_32, %swap3A_33] : memref<8x4x72x2084xf32, #tpu.memory_space<vmem>>, vector<1x1x72x2084xf32>
    %swap3A_35 = vector.shape_cast %swap3A_34 : vector<1x1x72x2084xf32> to vector<72x2084xf32>
    %swap3A_36 = vector.shape_cast %mul3A_29 : vector<72x2084xf32> to vector<1x1x72x2084xf32>
    tpu.vector_store %arg3[%swap3A_30, %swap3A_31, %swap3A_32, %swap3A_33], %swap3A_36 {strides = array<i32>} : memref<8x4x72x2084xf32, #tpu.memory_space<vmem>>, vector<1x1x72x2084xf32>,
    %get3A_37 = arith.constant 2 : index
    %get3A_38 = arith.constant 0 : index
    %get3A_39 = arith.constant 0 : index
    %get3A_40 = vector.load %arg2[%get3A_37, %get3A_38, %get3A_39] : memref<3x72x2084xf32, #tpu.memory_space<vmem>>, vector<1x72x2084xf32>
    %get3A_41 = vector.shape_cast %get3A_40 : vector<1x72x2084xf32> to vector<72x2084xf32>
    %mul3A_42 = arith.mulf %select_n3A, %get3A_41 : vector<72x2084xf32>
    %swap3A_43 = arith.constant 0 : index
    %swap3A_44 = arith.constant 2 : index
    %swap3A_45 = arith.constant 0 : index
    %swap3A_46 = arith.constant 0 : index
    %swap3A_47 = vector.load %arg3[%swap3A_43, %swap3A_44, %swap3A_45, %swap3A_46] : memref<8x4x72x2084xf32, #tpu.memory_space<vmem>>, vector<1x1x72x2084xf32>
    %swap3A_48 = vector.shape_cast %swap3A_47 : vector<1x1x72x2084xf32> to vector<72x2084xf32>
    %swap3A_49 = vector.shape_cast %mul3A_42 : vector<72x2084xf32> to vector<1x1x72x2084xf32>
    tpu.vector_store %arg3[%swap3A_43, %swap3A_44, %swap3A_45, %swap3A_46], %swap3A_49 {strides = array<i32>} : memref<8x4x72x2084xf32, #tpu.memory_space<vmem>>, vector<1x1x72x2084xf32>,
    %swap3A_50 = arith.constant 0 : index
    %swap3A_51 = arith.constant 3 : index
    %swap3A_52 = arith.constant 0 : index
    %swap3A_53 = arith.constant 0 : index
    %swap3A_54 = vector.load %arg3[%swap3A_50, %swap3A_51, %swap3A_52, %swap3A_53] : memref<8x4x72x2084xf32, #tpu.memory_space<vmem>>, vector<1x1x72x2084xf32>
    %swap3A_55 = vector.shape_cast %swap3A_54 : vector<1x1x72x2084xf32> to vector<72x2084xf32>
    %swap3A_56 = vector.shape_cast %get3A_10 : vector<72x2084xf32> to vector<1x1x72x2084xf32>
    tpu.vector_store %arg3[%swap3A_50, %swap3A_51, %swap3A_52, %swap3A_53], %swap3A_56 {strides = array<i32>} : memref<8x4x72x2084xf32, #tpu.memory_space<vmem>>, vector<1x1x72x2084xf32>,
    %get3A_57 = arith.constant 1 : index
    %get3A_58 = arith.constant 0 : index
    %get3A_59 = arith.constant 0 : index
    %get3A_60 = arith.constant 0 : index
    %get3A_61 = vector.load %arg1[%get3A_57, %get3A_58, %get3A_59, %get3A_60] : memref<8x2x72x2084xf32, #tpu.memory_space<vmem>>, vector<1x1x72x2084xf32>
    %get3A_62 = vector.shape_cast %get3A_61 : vector<1x1x72x2084xf32> to vector<72x2084xf32>
    %get3A_63 = arith.constant 1 : index
    %get3A_64 = arith.constant 1 : index
    %get3A_65 = arith.constant 0 : index
    %get3A_66 = arith.constant 0 : index
    %get3A_67 = vector.load %arg1[%get3A_63, %get3A_64, %get3A_65, %get3A_66] : memref<8x2x72x2084xf32, #tpu.memory_space<vmem>>, vector<1x1x72x2084xf32>
    %get3A_68 = vector.shape_cast %get3A_67 : vector<1x1x72x2084xf32> to vector<72x2084xf32>
    %ge3A_69 = arith.constant 5.000000e-01 : f32
    %ge3A_70 = vector.broadcast %ge3A_69 : f32 to vector<72x2084xf32>
    %ge3A_71 = arith.cmpf oge, %get3A_68, %ge3A_70 : vector<72x2084xf32>
    %jit3A_72 = arith.constant 0.000000e+00 : f32
    %broadcast_in_dim3A_73 = vector.broadcast %jit3A_72 : f32 to vector<72x2084xf32>
    %select_n3A_74 = arith.select %ge3A_71, %get3A_62, %broadcast_in_dim3A_73 : vector<72x2084xi1>, vector<72x2084xf32>
    %get3A_75 = arith.constant 0 : index
    %get3A_76 = arith.constant 0 : index
    %get3A_77 = arith.constant 0 : index
    %get3A_78 = vector.load %arg2[%get3A_75, %get3A_76, %get3A_77] : memref<3x72x2084xf32, #tpu.memory_space<vmem>>, vector<1x72x2084xf32>
    %get3A_79 = vector.shape_cast %get3A_78 : vector<1x72x2084xf32> to vector<72x2084xf32>
    %mul3A_80 = arith.mulf %select_n3A_74, %get3A_79 : vector<72x2084xf32>
    %swap3A_81 = arith.constant 1 : index
    %swap3A_82 = arith.constant 0 : index
    %swap3A_83 = arith.constant 0 : index
    %swap3A_84 = arith.constant 0 : index
    %swap3A_85 = vector.load %arg3[%swap3A_81, %swap3A_82, %swap3A_83, %swap3A_84] : memref<8x4x72x2084xf32, #tpu.memory_space<vmem>>, vector<1x1x72x2084xf32>
    %swap3A_86 = vector.shape_cast %swap3A_85 : vector<1x1x72x2084xf32> to vector<72x2084xf32>
    %swap3A_87 = vector.shape_cast %mul3A_80 : vector<72x2084xf32> to vector<1x1x72x2084xf32>
    tpu.vector_store %arg3[%swap3A_81, %swap3A_82, %swap3A_83, %swap3A_84], %swap3A_87 {strides = array<i32>} : memref<8x4x72x2084xf32, #tpu.memory_space<vmem>>, vector<1x1x72x2084xf32>,
    %get3A_88 = arith.constant 1 : index
    %get3A_89 = arith.constant 0 : index
    %get3A_90 = arith.constant 0 : index
    %get3A_91 = vector.load %arg2[%get3A_88, %get3A_89, %get3A_90] : memref<3x72x2084xf32, #tpu.memory_space<vmem>>, vector<1x72x2084xf32>
    %get3A_92 = vector.shape_cast %get3A_91 : vector<1x72x2084xf32> to vector<72x2084xf32>
    %mul3A_93 = arith.mulf %select_n3A_74, %get3A_92 : vector<72x2084xf32>
    %swap3A_94 = arith.constant 1 : index
    %swap3A_95 = arith.constant 1 : index
    %swap3A_96 = arith.constant 0 : index
    %swap3A_97 = arith.constant 0 : index
    %swap3A_98 = vector.load %arg3[%swap3A_94, %swap3A_95, %swap3A_96, %swap3A_97] : memref<8x4x72x2084xf32, #tpu.memory_space<vmem>>, vector<1x1x72x2084xf32>
    %swap3A_99 = vector.shape_cast %swap3A_98 : vector<1x1x72x2084xf32> to vector<72x2084xf32>
    %swap3A_100 = vector.shape_cast %mul3A_93 : vector<72x2084xf32> to vector<1x1x72x2084xf32>
    tpu.vector_store %arg3[%swap3A_94, %swap3A_95, %swap3A_96, %swap3A_97], %swap3A_100 {strides = array<i32>} : memref<8x4x72x2084xf32, #tpu.memory_space<vmem>>, vector<1x1x72x2084xf32>,
    %get3A_101 = arith.constant 2 : index
    %get3A_102 = arith.constant 0 : index
    %get3A_103 = arith.constant 0 : index
    %get3A_104 = vector.load %arg2[%get3A_101, %get3A_102, %get3A_103] : memref<3x72x2084xf32, #tpu.memory_space<vmem>>, vector<1x72x2084xf32>
    %get3A_105 = vector.shape_cast %get3A_104 : vector<1x72x2084xf32> to vector<72x2084xf32>
    %mul3A_106 = arith.mulf %select_n3A_74, %get3A_105 : vector<72x2084xf32>
    %swap3A_107 = arith.constant 1 : index
    %swap3A_108 = arith.constant 2 : index
    %swap3A_109 = arith.constant 0 : index
    %swap3A_110 = arith.constant 0 : index
    %swap3A_111 = vector.load %arg3[%swap3A_107, %swap3A_108, %swap3A_109, %swap3A_110] : memref<8x4x72x2084xf32, #tpu.memory_space<vmem>>, vector<1x1x72x2084xf32>
    %swap3A_112 = vector.shape_cast %swap3A_111 : vector<1x1x72x2084xf32> to vector<72x2084xf32>
    %swap3A_113 = vector.shape_cast %mul3A_106 : vector<72x2084xf32> to vector<1x1x72x2084xf32>
    tpu.vector_store %arg3[%swap3A_107, %swap3A_108, %swap3A_109, %swap3A_110], %swap3A_113 {strides = array<i32>} : memref<8x4x72x2084xf32, #tpu.memory_space<vmem>>, vector<1x1x72x2084xf32>,
    %swap3A_114 = arith.constant 1 : index
    %swap3A_115 = arith.constant 3 : index
    %swap3A_116 = arith.constant 0 : index
    %swap3A_117 = arith.constant 0 : index
    %swap3A_118 = vector.load %arg3[%swap3A_114, %swap3A_115, %swap3A_116, %swap3A_117] : memref<8x4x72x2084xf32, #tpu.memory_space<vmem>>, vector<1x1x72x2084xf32>
    %swap3A_119 = vector.shape_cast %swap3A_118 : vector<1x1x72x2084xf32> to vector<72x2084xf32>
    %swap3A_120 = vector.shape_cast %get3A_68 : vector<72x2084xf32> to vector<1x1x72x2084xf32>
    tpu.vector_store %arg3[%swap3A_114, %swap3A_115, %swap3A_116, %swap3A_117], %swap3A_120 {strides = array<i32>} : memref<8x4x72x2084xf32, #tpu.memory_space<vmem>>, vector<1x1x72x2084xf32>,
    %get3A_121 = arith.constant 2 : index
    %get3A_122 = arith.constant 0 : index
    %get3A_123 = arith.constant 0 : index
    %get3A_124 = arith.constant 0 : index
    %get3A_125 = vector.load %arg1[%get3A_121, %get3A_122, %get3A_123, %get3A_124] : memref<8x2x72x2084xf32, #tpu.memory_space<vmem>>, vector<1x1x72x2084xf32>
    %get3A_126 = vector.shape_cast %get3A_125 : vector<1x1x72x2084xf32> to vector<72x2084xf32>
    %get3A_127 = arith.constant 2 : index
    %get3A_128 = arith.constant 1 : index
    %get3A_129 = arith.constant 0 : index
    %get3A_130 = arith.constant 0 : index
    %get3A_131 = vector.load %arg1[%get3A_127, %get3A_128, %get3A_129, %get3A_130] : memref<8x2x72x2084xf32, #tpu.memory_space<vmem>>, vector<1x1x72x2084xf32>
    %get3A_132 = vector.shape_cast %get3A_131 : vector<1x1x72x2084xf32> to vector<72x2084xf32>
    %ge3A_133 = arith.constant 5.000000e-01 : f32
    %ge3A_134 = vector.broadcast %ge3A_133 : f32 to vector<72x2084xf32>
    %ge3A_135 = arith.cmpf oge, %get3A_132, %ge3A_134 : vector<72x2084xf32>
    %jit3A_136 = arith.constant 0.000000e+00 : f32
    %broadcast_in_dim3A_137 = vector.broadcast %jit3A_136 : f32 to vector<72x2084xf32>
    %select_n3A_138 = arith.select %ge3A_135, %get3A_126, %broadcast_in_dim3A_137 : vector<72x2084xi1>, vector<72x2084xf32>
    %get3A_139 = arith.constant 0 : index
    %get3A_140 = arith.constant 0 : index
    %get3A_141 = arith.constant 0 : index
    %get3A_142 = vector.load %arg2[%get3A_139, %get3A_140, %get3A_141] : memref<3x72x2084xf32, #tpu.memory_space<vmem>>, vector<1x72x2084xf32>
    %get3A_143 = vector.shape_cast %get3A_142 : vector<1x72x2084xf32> to vector<72x2084xf32>
    %mul3A_144 = arith.mulf %select_n3A_138, %get3A_143 : vector<72x2084xf32>
    %swap3A_145 = arith.constant 2 : index
    %swap3A_146 = arith.constant 0 : index
    %swap3A_147 = arith.constant 0 : index
    %swap3A_148 = arith.constant 0 : index
    %swap3A_149 = vector.load %arg3[%swap3A_145, %swap3A_146, %swap3A_147, %swap3A_148] : memref<8x4x72x2084xf32, #tpu.memory_space<vmem>>, vector<1x1x72x2084xf32>
    %swap3A_150 = vector.shape_cast %swap3A_149 : vector<1x1x72x2084xf32> to vector<72x2084xf32>
    %swap3A_151 = vector.shape_cast %mul3A_144 : vector<72x2084xf32> to vector<1x1x72x2084xf32>
    tpu.vector_store %arg3[%swap3A_145, %swap3A_146, %swap3A_147, %swap3A_148], %swap3A_151 {strides = array<i32>} : memref<8x4x72x2084xf32, #tpu.memory_space<vmem>>, vector<1x1x72x2084xf32>,
    %get3A_152 = arith.constant 1 : index
    %get3A_153 = arith.constant 0 : index
    %get3A_154 = arith.constant 0 : index
    %get3A_155 = vector.load %arg2[%get3A_152, %get3A_153, %get3A_154] : memref<3x72x2084xf32, #tpu.memory_space<vmem>>, vector<1x72x2084xf32>
    %get3A_156 = vector.shape_cast %get3A_155 : vector<1x72x2084xf32> to vector<72x2084xf32>
    %mul3A_157 = arith.mulf %select_n3A_138, %get3A_156 : vector<72x2084xf32>
    %swap3A_158 = arith.constant 2 : index
    %swap3A_159 = arith.constant 1 : index
    %swap3A_160 = arith.constant 0 : index
    %swap3A_161 = arith.constant 0 : index
    %swap3A_162 = vector.load %arg3[%swap3A_158, %swap3A_159, %swap3A_160, %swap3A_161] : memref<8x4x72x2084xf32, #tpu.memory_space<vmem>>, vector<1x1x72x2084xf32>
    %swap3A_163 = vector.shape_cast %swap3A_162 : vector<1x1x72x2084xf32> to vector<72x2084xf32>
    %swap3A_164 = vector.shape_cast %mul3A_157 : vector<72x2084xf32> to vector<1x1x72x2084xf32>
    tpu.vector_store %arg3[%swap3A_158, %swap3A_159, %swap3A_160, %swap3A_161], %swap3A_164 {strides = array<i32>} : memref<8x4x72x2084xf32, #tpu.memory_space<vmem>>, vector<1x1x72x2084xf32>,
    %get3A_165 = arith.constant 2 : index
    %get3A_166 = arith.constant 0 : index
    %get3A_167 = arith.constant 0 : index
    %get3A_168 = vector.load %arg2[%get3A_165, %get3A_166, %get3A_167] : memref<3x72x2084xf32, #tpu.memory_space<vmem>>, vector<1x72x2084xf32>
    %get3A_169 = vector.shape_cast %get3A_168 : vector<1x72x2084xf32> to vector<72x2084xf32>
    %mul3A_170 = arith.mulf %select_n3A_138, %get3A_169 : vector<72x2084xf32>
    %swap3A_171 = arith.constant 2 : index
    %swap3A_172 = arith.constant 2 : index
    %swap3A_173 = arith.constant 0 : index
    %swap3A_174 = arith.constant 0 : index
    %swap3A_175 = vector.load %arg3[%swap3A_171, %swap3A_172, %swap3A_173, %swap3A_174] : memref<8x4x72x2084xf32, #tpu.memory_space<vmem>>, vector<1x1x72x2084xf32>
    %swap3A_176 = vector.shape_cast %swap3A_175 : vector<1x1x72x2084xf32> to vector<72x2084xf32>
    %swap3A_177 = vector.shape_cast %mul3A_170 : vector<72x2084xf32> to vector<1x1x72x2084xf32>
    tpu.vector_store %arg3[%swap3A_171, %swap3A_172, %swap3A_173, %swap3A_174], %swap3A_177 {strides = array<i32>} : memref<8x4x72x2084xf32, #tpu.memory_space<vmem>>, vector<1x1x72x2084xf32>,
    %swap3A_178 = arith.constant 2 : index
    %swap3A_179 = arith.constant 3 : index
    %swap3A_180 = arith.constant 0 : index
    %swap3A_181 = arith.constant 0 : index
    %swap3A_182 = vector.load %arg3[%swap3A_178, %swap3A_179, %swap3A_180, %swap3A_181] : memref<8x4x72x2084xf32, #tpu.memory_space<vmem>>, vector<1x1x72x2084xf32>
    %swap3A_183 = vector.shape_cast %swap3A_182 : vector<1x1x72x2084xf32> to vector<72x2084xf32>
    %swap3A_184 = vector.shape_cast %get3A_132 : vector<72x2084xf32> to vector<1x1x72x2084xf32>
    tpu.vector_store %arg3[%swap3A_178, %swap3A_179, %swap3A_180, %swap3A_181], %swap3A_184 {strides = array<i32>} : memref<8x4x72x2084xf32, #tpu.memory_space<vmem>>, vector<1x1x72x2084xf32>,
    %get3A_185 = arith.constant 3 : index
    %get3A_186 = arith.constant 0 : index
    %get3A_187 = arith.constant 0 : index
    %get3A_188 = arith.constant 0 : index
    %get3A_189 = vector.load %arg1[%get3A_185, %get3A_186, %get3A_187, %get3A_188] : memref<8x2x72x2084xf32, #tpu.memory_space<vmem>>, vector<1x1x72x2084xf32>
    %get3A_190 = vector.shape_cast %get3A_189 : vector<1x1x72x2084xf32> to vector<72x2084xf32>
    %get3A_191 = arith.constant 3 : index
    %get3A_192 = arith.constant 1 : index
    %get3A_193 = arith.constant 0 : index
    %get3A_194 = arith.constant 0 : index
    %get3A_195 = vector.load %arg1[%get3A_191, %get3A_192, %get3A_193, %get3A_194] : memref<8x2x72x2084xf32, #tpu.memory_space<vmem>>, vector<1x1x72x2084xf32>
    %get3A_196 = vector.shape_cast %get3A_195 : vector<1x1x72x2084xf32> to vector<72x2084xf32>
    %ge3A_197 = arith.constant 5.000000e-01 : f32
    %ge3A_198 = vector.broadcast %ge3A_197 : f32 to vector<72x2084xf32>
    %ge3A_199 = arith.cmpf oge, %get3A_196, %ge3A_198 : vector<72x2084xf32>
    %jit3A_200 = arith.constant 0.000000e+00 : f32
    %broadcast_in_dim3A_201 = vector.broadcast %jit3A_200 : f32 to vector<72x2084xf32>
    %select_n3A_202 = arith.select %ge3A_199, %get3A_190, %broadcast_in_dim3A_201 : vector<72x2084xi1>, vector<72x2084xf32>
    %get3A_203 = arith.constant 0 : index
    %get3A_204 = arith.constant 0 : index
    %get3A_205 = arith.constant 0 : index
    %get3A_206 = vector.load %arg2[%get3A_203, %get3A_204, %get3A_205] : memref<3x72x2084xf32, #tpu.memory_space<vmem>>, vector<1x72x2084xf32>
    %get3A_207 = vector.shape_cast %get3A_206 : vector<1x72x2084xf32> to vector<72x2084xf32>
    %mul3A_208 = arith.mulf %select_n3A_202, %get3A_207 : vector<72x2084xf32>
    %swap3A_209 = arith.constant 3 : index
    %swap3A_210 = arith.constant 0 : index
    %swap3A_211 = arith.constant 0 : index
    %swap3A_212 = arith.constant 0 : index
    %swap3A_213 = vector.load %arg3[%swap3A_209, %swap3A_210, %swap3A_211, %swap3A_212] : memref<8x4x72x2084xf32, #tpu.memory_space<vmem>>, vector<1x1x72x2084xf32>
    %swap3A_214 = vector.shape_cast %swap3A_213 : vector<1x1x72x2084xf32> to vector<72x2084xf32>
    %swap3A_215 = vector.shape_cast %mul3A_208 : vector<72x2084xf32> to vector<1x1x72x2084xf32>
    tpu.vector_store %arg3[%swap3A_209, %swap3A_210, %swap3A_211, %swap3A_212], %swap3A_215 {strides = array<i32>} : memref<8x4x72x2084xf32, #tpu.memory_space<vmem>>, vector<1x1x72x2084xf32>,
    %get3A_216 = arith.constant 1 : index
    %get3A_217 = arith.constant 0 : index
    %get3A_218 = arith.constant 0 : index
    %get3A_219 = vector.load %arg2[%get3A_216, %get3A_217, %get3A_218] : memref<3x72x2084xf32, #tpu.memory_space<vmem>>, vector<1x72x2084xf32>
    %get3A_220 = vector.shape_cast %get3A_219 : vector<1x72x2084xf32> to vector<72x2084xf32>
    %mul3A_221 = arith.mulf %select_n3A_202, %get3A_220 : vector<72x2084xf32>
    %swap3A_222 = arith.constant 3 : index
    %swap3A_223 = arith.constant 1 : index
    %swap3A_224 = arith.constant 0 : index
    %swap3A_225 = arith.constant 0 : index
    %swap3A_226 = vector.load %arg3[%swap3A_222, %swap3A_223, %swap3A_224, %swap3A_225] : memref<8x4x72x2084xf32, #tpu.memory_space<vmem>>, vector<1x1x72x2084xf32>
    %swap3A_227 = vector.shape_cast %swap3A_226 : vector<1x1x72x2084xf32> to vector<72x2084xf32>
    %swap3A_228 = vector.shape_cast %mul3A_221 : vector<72x2084xf32> to vector<1x1x72x2084xf32>
    tpu.vector_store %arg3[%swap3A_222, %swap3A_223, %swap3A_224, %swap3A_225], %swap3A_228 {strides = array<i32>} : memref<8x4x72x2084xf32, #tpu.memory_space<vmem>>, vector<1x1x72x2084xf32>,
    %get3A_229 = arith.constant 2 : index
    %get3A_230 = arith.constant 0 : index
    %get3A_231 = arith.constant 0 : index
    %get3A_232 = vector.load %arg2[%get3A_229, %get3A_230, %get3A_231] : memref<3x72x2084xf32, #tpu.memory_space<vmem>>, vector<1x72x2084xf32>
    %get3A_233 = vector.shape_cast %get3A_232 : vector<1x72x2084xf32> to vector<72x2084xf32>
    %mul3A_234 = arith.mulf %select_n3A_202, %get3A_233 : vector<72x2084xf32>
    %swap3A_235 = arith.constant 3 : index
    %swap3A_236 = arith.constant 2 : index
    %swap3A_237 = arith.constant 0 : index
    %swap3A_238 = arith.constant 0 : index
    %swap3A_239 = vector.load %arg3[%swap3A_235, %swap3A_236, %swap3A_237, %swap3A_238] : memref<8x4x72x2084xf32, #tpu.memory_space<vmem>>, vector<1x1x72x2084xf32>
    %swap3A_240 = vector.shape_cast %swap3A_239 : vector<1x1x72x2084xf32> to vector<72x2084xf32>
    %swap3A_241 = vector.shape_cast %mul3A_234 : vector<72x2084xf32> to vector<1x1x72x2084xf32>
    tpu.vector_store %arg3[%swap3A_235, %swap3A_236, %swap3A_237, %swap3A_238], %swap3A_241 {strides = array<i32>} : memref<8x4x72x2084xf32, #tpu.memory_space<vmem>>, vector<1x1x72x2084xf32>,
    %swap3A_242 = arith.constant 3 : index
    %swap3A_243 = arith.constant 3 : index
    %swap3A_244 = arith.constant 0 : index
    %swap3A_245 = arith.constant 0 : index
    %swap3A_246 = vector.load %arg3[%swap3A_242, %swap3A_243, %swap3A_244, %swap3A_245] : memref<8x4x72x2084xf32, #tpu.memory_space<vmem>>, vector<1x1x72x2084xf32>
    %swap3A_247 = vector.shape_cast %swap3A_246 : vector<1x1x72x2084xf32> to vector<72x2084xf32>
    %swap3A_248 = vector.shape_cast %get3A_196 : vector<72x2084xf32> to vector<1x1x72x2084xf32>
    tpu.vector_store %arg3[%swap3A_242, %swap3A_243, %swap3A_244, %swap3A_245], %swap3A_248 {strides = array<i32>} : memref<8x4x72x2084xf32, #tpu.memory_space<vmem>>, vector<1x1x72x2084xf32>,
    %get3A_249 = arith.constant 4 : index
    %get3A_250 = arith.constant 0 : index
    %get3A_251 = arith.constant 0 : index
    %get3A_252 = arith.constant 0 : index
    %get3A_253 = vector.load %arg1[%get3A_249, %get3A_250, %get3A_251, %get3A_252] : memref<8x2x72x2084xf32, #tpu.memory_space<vmem>>, vector<1x1x72x2084xf32>
    %get3A_254 = vector.shape_cast %get3A_253 : vector<1x1x72x2084xf32> to vector<72x2084xf32>
    %get3A_255 = arith.constant 4 : index
    %get3A_256 = arith.constant 1 : index
    %get3A_257 = arith.constant 0 : index
    %get3A_258 = arith.constant 0 : index
    %get3A_259 = vector.load %arg1[%get3A_255, %get3A_256, %get3A_257, %get3A_258] : memref<8x2x72x2084xf32, #tpu.memory_space<vmem>>, vector<1x1x72x2084xf32>
    %get3A_260 = vector.shape_cast %get3A_259 : vector<1x1x72x2084xf32> to vector<72x2084xf32>
    %ge3A_261 = arith.constant 5.000000e-01 : f32
    %ge3A_262 = vector.broadcast %ge3A_261 : f32 to vector<72x2084xf32>
    %ge3A_263 = arith.cmpf oge, %get3A_260, %ge3A_262 : vector<72x2084xf32>
    %jit3A_264 = arith.constant 0.000000e+00 : f32
    %broadcast_in_dim3A_265 = vector.broadcast %jit3A_264 : f32 to vector<72x2084xf32>
    %select_n3A_266 = arith.select %ge3A_263, %get3A_254, %broadcast_in_dim3A_265 : vector<72x2084xi1>, vector<72x2084xf32>
    %get3A_267 = arith.constant 0 : index
    %get3A_268 = arith.constant 0 : index
    %get3A_269 = arith.constant 0 : index
    %get3A_270 = vector.load %arg2[%get3A_267, %get3A_268, %get3A_269] : memref<3x72x2084xf32, #tpu.memory_space<vmem>>, vector<1x72x2084xf32>
    %get3A_271 = vector.shape_cast %get3A_270 : vector<1x72x2084xf32> to vector<72x2084xf32>
    %mul3A_272 = arith.mulf %select_n3A_266, %get3A_271 : vector<72x2084xf32>
    %swap3A_273 = arith.constant 4 : index
    %swap3A_274 = arith.constant 0 : index
    %swap3A_275 = arith.constant 0 : index
    %swap3A_276 = arith.constant 0 : index
    %swap3A_277 = vector.load %arg3[%swap3A_273, %swap3A_274, %swap3A_275, %swap3A_276] : memref<8x4x72x2084xf32, #tpu.memory_space<vmem>>, vector<1x1x72x2084xf32>
    %swap3A_278 = vector.shape_cast %swap3A_277 : vector<1x1x72x2084xf32> to vector<72x2084xf32>
    %swap3A_279 = vector.shape_cast %mul3A_272 : vector<72x2084xf32> to vector<1x1x72x2084xf32>
    tpu.vector_store %arg3[%swap3A_273, %swap3A_274, %swap3A_275, %swap3A_276], %swap3A_279 {strides = array<i32>} : memref<8x4x72x2084xf32, #tpu.memory_space<vmem>>, vector<1x1x72x2084xf32>,
    %get3A_280 = arith.constant 1 : index
    %get3A_281 = arith.constant 0 : index
    %get3A_282 = arith.constant 0 : index
    %get3A_283 = vector.load %arg2[%get3A_280, %get3A_281, %get3A_282] : memref<3x72x2084xf32, #tpu.memory_space<vmem>>, vector<1x72x2084xf32>
    %get3A_284 = vector.shape_cast %get3A_283 : vector<1x72x2084xf32> to vector<72x2084xf32>
    %mul3A_285 = arith.mulf %select_n3A_266, %get3A_284 : vector<72x2084xf32>
    %swap3A_286 = arith.constant 4 : index
    %swap3A_287 = arith.constant 1 : index
    %swap3A_288 = arith.constant 0 : index
    %swap3A_289 = arith.constant 0 : index
    %swap3A_290 = vector.load %arg3[%swap3A_286, %swap3A_287, %swap3A_288, %swap3A_289] : memref<8x4x72x2084xf32, #tpu.memory_space<vmem>>, vector<1x1x72x2084xf32>
    %swap3A_291 = vector.shape_cast %swap3A_290 : vector<1x1x72x2084xf32> to vector<72x2084xf32>
    %swap3A_292 = vector.shape_cast %mul3A_285 : vector<72x2084xf32> to vector<1x1x72x2084xf32>
    tpu.vector_store %arg3[%swap3A_286, %swap3A_287, %swap3A_288, %swap3A_289], %swap3A_292 {strides = array<i32>} : memref<8x4x72x2084xf32, #tpu.memory_space<vmem>>, vector<1x1x72x2084xf32>,
    %get3A_293 = arith.constant 2 : index
    %get3A_294 = arith.constant 0 : index
    %get3A_295 = arith.constant 0 : index
    %get3A_296 = vector.load %arg2[%get3A_293, %get3A_294, %get3A_295] : memref<3x72x2084xf32, #tpu.memory_space<vmem>>, vector<1x72x2084xf32>
    %get3A_297 = vector.shape_cast %get3A_296 : vector<1x72x2084xf32> to vector<72x2084xf32>
    %mul3A_298 = arith.mulf %select_n3A_266, %get3A_297 : vector<72x2084xf32>
    %swap3A_299 = arith.constant 4 : index
    %swap3A_300 = arith.constant 2 : index
    %swap3A_301 = arith.constant 0 : index
    %swap3A_302 = arith.constant 0 : index
    %swap3A_303 = vector.load %arg3[%swap3A_299, %swap3A_300, %swap3A_301, %swap3A_302] : memref<8x4x72x2084xf32, #tpu.memory_space<vmem>>, vector<1x1x72x2084xf32>
    %swap3A_304 = vector.shape_cast %swap3A_303 : vector<1x1x72x2084xf32> to vector<72x2084xf32>
    %swap3A_305 = vector.shape_cast %mul3A_298 : vector<72x2084xf32> to vector<1x1x72x2084xf32>
    tpu.vector_store %arg3[%swap3A_299, %swap3A_300, %swap3A_301, %swap3A_302], %swap3A_305 {strides = array<i32>} : memref<8x4x72x2084xf32, #tpu.memory_space<vmem>>, vector<1x1x72x2084xf32>,
    %swap3A_306 = arith.constant 4 : index
    %swap3A_307 = arith.constant 3 : index
    %swap3A_308 = arith.constant 0 : index
    %swap3A_309 = arith.constant 0 : index
    %swap3A_310 = vector.load %arg3[%swap3A_306, %swap3A_307, %swap3A_308, %swap3A_309] : memref<8x4x72x2084xf32, #tpu.memory_space<vmem>>, vector<1x1x72x2084xf32>
    %swap3A_311 = vector.shape_cast %swap3A_310 : vector<1x1x72x2084xf32> to vector<72x2084xf32>
    %swap3A_312 = vector.shape_cast %get3A_260 : vector<72x2084xf32> to vector<1x1x72x2084xf32>
    tpu.vector_store %arg3[%swap3A_306, %swap3A_307, %swap3A_308, %swap3A_309], %swap3A_312 {strides = array<i32>} : memref<8x4x72x2084xf32, #tpu.memory_space<vmem>>, vector<1x1x72x2084xf32>,
    %get3A_313 = arith.constant 5 : index
    %get3A_314 = arith.constant 0 : index
    %get3A_315 = arith.constant 0 : index
    %get3A_316 = arith.constant 0 : index
    %get3A_317 = vector.load %arg1[%get3A_313, %get3A_314, %get3A_315, %get3A_316] : memref<8x2x72x2084xf32, #tpu.memory_space<vmem>>, vector<1x1x72x2084xf32>
    %get3A_318 = vector.shape_cast %get3A_317 : vector<1x1x72x2084xf32> to vector<72x2084xf32>
    %get3A_319 = arith.constant 5 : index
    %get3A_320 = arith.constant 1 : index
    %get3A_321 = arith.constant 0 : index
    %get3A_322 = arith.constant 0 : index
    %get3A_323 = vector.load %arg1[%get3A_319, %get3A_320, %get3A_321, %get3A_322] : memref<8x2x72x2084xf32, #tpu.memory_space<vmem>>, vector<1x1x72x2084xf32>
    %get3A_324 = vector.shape_cast %get3A_323 : vector<1x1x72x2084xf32> to vector<72x2084xf32>
    %ge3A_325 = arith.constant 5.000000e-01 : f32
    %ge3A_326 = vector.broadcast %ge3A_325 : f32 to vector<72x2084xf32>
    %ge3A_327 = arith.cmpf oge, %get3A_324, %ge3A_326 : vector<72x2084xf32>
    %jit3A_328 = arith.constant 0.000000e+00 : f32
    %broadcast_in_dim3A_329 = vector.broadcast %jit3A_328 : f32 to vector<72x2084xf32>
    %select_n3A_330 = arith.select %ge3A_327, %get3A_318, %broadcast_in_dim3A_329 : vector<72x2084xi1>, vector<72x2084xf32>
    %get3A_331 = arith.constant 0 : index
    %get3A_332 = arith.constant 0 : index
    %get3A_333 = arith.constant 0 : index
    %get3A_334 = vector.load %arg2[%get3A_331, %get3A_332, %get3A_333] : memref<3x72x2084xf32, #tpu.memory_space<vmem>>, vector<1x72x2084xf32>
    %get3A_335 = vector.shape_cast %get3A_334 : vector<1x72x2084xf32> to vector<72x2084xf32>
    %mul3A_336 = arith.mulf %select_n3A_330, %get3A_335 : vector<72x2084xf32>
    %swap3A_337 = arith.constant 5 : index
    %swap3A_338 = arith.constant 0 : index
    %swap3A_339 = arith.constant 0 : index
    %swap3A_340 = arith.constant 0 : index
    %swap3A_341 = vector.load %arg3[%swap3A_337, %swap3A_338, %swap3A_339, %swap3A_340] : memref<8x4x72x2084xf32, #tpu.memory_space<vmem>>, vector<1x1x72x2084xf32>
    %swap3A_342 = vector.shape_cast %swap3A_341 : vector<1x1x72x2084xf32> to vector<72x2084xf32>
    %swap3A_343 = vector.shape_cast %mul3A_336 : vector<72x2084xf32> to vector<1x1x72x2084xf32>
    tpu.vector_store %arg3[%swap3A_337, %swap3A_338, %swap3A_339, %swap3A_340], %swap3A_343 {strides = array<i32>} : memref<8x4x72x2084xf32, #tpu.memory_space<vmem>>, vector<1x1x72x2084xf32>,
    %get3A_344 = arith.constant 1 : index
    %get3A_345 = arith.constant 0 : index
    %get3A_346 = arith.constant 0 : index
    %get3A_347 = vector.load %arg2[%get3A_344, %get3A_345, %get3A_346] : memref<3x72x2084xf32, #tpu.memory_space<vmem>>, vector<1x72x2084xf32>
    %get3A_348 = vector.shape_cast %get3A_347 : vector<1x72x2084xf32> to vector<72x2084xf32>
    %mul3A_349 = arith.mulf %select_n3A_330, %get3A_348 : vector<72x2084xf32>
    %swap3A_350 = arith.constant 5 : index
    %swap3A_351 = arith.constant 1 : index
    %swap3A_352 = arith.constant 0 : index
    %swap3A_353 = arith.constant 0 : index
    %swap3A_354 = vector.load %arg3[%swap3A_350, %swap3A_351, %swap3A_352, %swap3A_353] : memref<8x4x72x2084xf32, #tpu.memory_space<vmem>>, vector<1x1x72x2084xf32>
    %swap3A_355 = vector.shape_cast %swap3A_354 : vector<1x1x72x2084xf32> to vector<72x2084xf32>
    %swap3A_356 = vector.shape_cast %mul3A_349 : vector<72x2084xf32> to vector<1x1x72x2084xf32>
    tpu.vector_store %arg3[%swap3A_350, %swap3A_351, %swap3A_352, %swap3A_353], %swap3A_356 {strides = array<i32>} : memref<8x4x72x2084xf32, #tpu.memory_space<vmem>>, vector<1x1x72x2084xf32>,
    %get3A_357 = arith.constant 2 : index
    %get3A_358 = arith.constant 0 : index
    %get3A_359 = arith.constant 0 : index
    %get3A_360 = vector.load %arg2[%get3A_357, %get3A_358, %get3A_359] : memref<3x72x2084xf32, #tpu.memory_space<vmem>>, vector<1x72x2084xf32>
    %get3A_361 = vector.shape_cast %get3A_360 : vector<1x72x2084xf32> to vector<72x2084xf32>
    %mul3A_362 = arith.mulf %select_n3A_330, %get3A_361 : vector<72x2084xf32>
    %swap3A_363 = arith.constant 5 : index
    %swap3A_364 = arith.constant 2 : index
    %swap3A_365 = arith.constant 0 : index
    %swap3A_366 = arith.constant 0 : index
    %swap3A_367 = vector.load %arg3[%swap3A_363, %swap3A_364, %swap3A_365, %swap3A_366] : memref<8x4x72x2084xf32, #tpu.memory_space<vmem>>, vector<1x1x72x2084xf32>
    %swap3A_368 = vector.shape_cast %swap3A_367 : vector<1x1x72x2084xf32> to vector<72x2084xf32>
    %swap3A_369 = vector.shape_cast %mul3A_362 : vector<72x2084xf32> to vector<1x1x72x2084xf32>
    tpu.vector_store %arg3[%swap3A_363, %swap3A_364, %swap3A_365, %swap3A_366], %swap3A_369 {strides = array<i32>} : memref<8x4x72x2084xf32, #tpu.memory_space<vmem>>, vector<1x1x72x2084xf32>,
    %swap3A_370 = arith.constant 5 : index
    %swap3A_371 = arith.constant 3 : index
    %swap3A_372 = arith.constant 0 : index
    %swap3A_373 = arith.constant 0 : index
    %swap3A_374 = vector.load %arg3[%swap3A_370, %swap3A_371, %swap3A_372, %swap3A_373] : memref<8x4x72x2084xf32, #tpu.memory_space<vmem>>, vector<1x1x72x2084xf32>
    %swap3A_375 = vector.shape_cast %swap3A_374 : vector<1x1x72x2084xf32> to vector<72x2084xf32>
    %swap3A_376 = vector.shape_cast %get3A_324 : vector<72x2084xf32> to vector<1x1x72x2084xf32>
    tpu.vector_store %arg3[%swap3A_370, %swap3A_371, %swap3A_372, %swap3A_373], %swap3A_376 {strides = array<i32>} : memref<8x4x72x2084xf32, #tpu.memory_space<vmem>>, vector<1x1x72x2084xf32>,
    %get3A_377 = arith.constant 6 : index
    %get3A_378 = arith.constant 0 : index
    %get3A_379 = arith.constant 0 : index
    %get3A_380 = arith.constant 0 : index
    %get3A_381 = vector.load %arg1[%get3A_377, %get3A_378, %get3A_379, %get3A_380] : memref<8x2x72x2084xf32, #tpu.memory_space<vmem>>, vector<1x1x72x2084xf32>
    %get3A_382 = vector.shape_cast %get3A_381 : vector<1x1x72x2084xf32> to vector<72x2084xf32>
    %get3A_383 = arith.constant 6 : index
    %get3A_384 = arith.constant 1 : index
    %get3A_385 = arith.constant 0 : index
    %get3A_386 = arith.constant 0 : index
    %get3A_387 = vector.load %arg1[%get3A_383, %get3A_384, %get3A_385, %get3A_386] : memref<8x2x72x2084xf32, #tpu.memory_space<vmem>>, vector<1x1x72x2084xf32>
    %get3A_388 = vector.shape_cast %get3A_387 : vector<1x1x72x2084xf32> to vector<72x2084xf32>
    %ge3A_389 = arith.constant 5.000000e-01 : f32
    %ge3A_390 = vector.broadcast %ge3A_389 : f32 to vector<72x2084xf32>
    %ge3A_391 = arith.cmpf oge, %get3A_388, %ge3A_390 : vector<72x2084xf32>
    %jit3A_392 = arith.constant 0.000000e+00 : f32
    %broadcast_in_dim3A_393 = vector.broadcast %jit3A_392 : f32 to vector<72x2084xf32>
    %select_n3A_394 = arith.select %ge3A_391, %get3A_382, %broadcast_in_dim3A_393 : vector<72x2084xi1>, vector<72x2084xf32>
    %get3A_395 = arith.constant 0 : index
    %get3A_396 = arith.constant 0 : index
    %get3A_397 = arith.constant 0 : index
    %get3A_398 = vector.load %arg2[%get3A_395, %get3A_396, %get3A_397] : memref<3x72x2084xf32, #tpu.memory_space<vmem>>, vector<1x72x2084xf32>
    %get3A_399 = vector.shape_cast %get3A_398 : vector<1x72x2084xf32> to vector<72x2084xf32>
    %mul3A_400 = arith.mulf %select_n3A_394, %get3A_399 : vector<72x2084xf32>
    %swap3A_401 = arith.constant 6 : index
    %swap3A_402 = arith.constant 0 : index
    %swap3A_403 = arith.constant 0 : index
    %swap3A_404 = arith.constant 0 : index
    %swap3A_405 = vector.load %arg3[%swap3A_401, %swap3A_402, %swap3A_403, %swap3A_404] : memref<8x4x72x2084xf32, #tpu.memory_space<vmem>>, vector<1x1x72x2084xf32>
    %swap3A_406 = vector.shape_cast %swap3A_405 : vector<1x1x72x2084xf32> to vector<72x2084xf32>
    %swap3A_407 = vector.shape_cast %mul3A_400 : vector<72x2084xf32> to vector<1x1x72x2084xf32>
    tpu.vector_store %arg3[%swap3A_401, %swap3A_402, %swap3A_403, %swap3A_404], %swap3A_407 {strides = array<i32>} : memref<8x4x72x2084xf32, #tpu.memory_space<vmem>>, vector<1x1x72x2084xf32>,
    %get3A_408 = arith.constant 1 : index
    %get3A_409 = arith.constant 0 : index
    %get3A_410 = arith.constant 0 : index
    %get3A_411 = vector.load %arg2[%get3A_408, %get3A_409, %get3A_410] : memref<3x72x2084xf32, #tpu.memory_space<vmem>>, vector<1x72x2084xf32>
    %get3A_412 = vector.shape_cast %get3A_411 : vector<1x72x2084xf32> to vector<72x2084xf32>
    %mul3A_413 = arith.mulf %select_n3A_394, %get3A_412 : vector<72x2084xf32>
    %swap3A_414 = arith.constant 6 : index
    %swap3A_415 = arith.constant 1 : index
    %swap3A_416 = arith.constant 0 : index
    %swap3A_417 = arith.constant 0 : index
    %swap3A_418 = vector.load %arg3[%swap3A_414, %swap3A_415, %swap3A_416, %swap3A_417] : memref<8x4x72x2084xf32, #tpu.memory_space<vmem>>, vector<1x1x72x2084xf32>
    %swap3A_419 = vector.shape_cast %swap3A_418 : vector<1x1x72x2084xf32> to vector<72x2084xf32>
    %swap3A_420 = vector.shape_cast %mul3A_413 : vector<72x2084xf32> to vector<1x1x72x2084xf32>
    tpu.vector_store %arg3[%swap3A_414, %swap3A_415, %swap3A_416, %swap3A_417], %swap3A_420 {strides = array<i32>} : memref<8x4x72x2084xf32, #tpu.memory_space<vmem>>, vector<1x1x72x2084xf32>,
    %get3A_421 = arith.constant 2 : index
    %get3A_422 = arith.constant 0 : index
    %get3A_423 = arith.constant 0 : index
    %get3A_424 = vector.load %arg2[%get3A_421, %get3A_422, %get3A_423] : memref<3x72x2084xf32, #tpu.memory_space<vmem>>, vector<1x72x2084xf32>
    %get3A_425 = vector.shape_cast %get3A_424 : vector<1x72x2084xf32> to vector<72x2084xf32>
    %mul3A_426 = arith.mulf %select_n3A_394, %get3A_425 : vector<72x2084xf32>
    %swap3A_427 = arith.constant 6 : index
    %swap3A_428 = arith.constant 2 : index
    %swap3A_429 = arith.constant 0 : index
    %swap3A_430 = arith.constant 0 : index
    %swap3A_431 = vector.load %arg3[%swap3A_427, %swap3A_428, %swap3A_429, %swap3A_430] : memref<8x4x72x2084xf32, #tpu.memory_space<vmem>>, vector<1x1x72x2084xf32>
    %swap3A_432 = vector.shape_cast %swap3A_431 : vector<1x1x72x2084xf32> to vector<72x2084xf32>
    %swap3A_433 = vector.shape_cast %mul3A_426 : vector<72x2084xf32> to vector<1x1x72x2084xf32>
    tpu.vector_store %arg3[%swap3A_427, %swap3A_428, %swap3A_429, %swap3A_430], %swap3A_433 {strides = array<i32>} : memref<8x4x72x2084xf32, #tpu.memory_space<vmem>>, vector<1x1x72x2084xf32>,
    %swap3A_434 = arith.constant 6 : index
    %swap3A_435 = arith.constant 3 : index
    %swap3A_436 = arith.constant 0 : index
    %swap3A_437 = arith.constant 0 : index
    %swap3A_438 = vector.load %arg3[%swap3A_434, %swap3A_435, %swap3A_436, %swap3A_437] : memref<8x4x72x2084xf32, #tpu.memory_space<vmem>>, vector<1x1x72x2084xf32>
    %swap3A_439 = vector.shape_cast %swap3A_438 : vector<1x1x72x2084xf32> to vector<72x2084xf32>
    %swap3A_440 = vector.shape_cast %get3A_388 : vector<72x2084xf32> to vector<1x1x72x2084xf32>
    tpu.vector_store %arg3[%swap3A_434, %swap3A_435, %swap3A_436, %swap3A_437], %swap3A_440 {strides = array<i32>} : memref<8x4x72x2084xf32, #tpu.memory_space<vmem>>, vector<1x1x72x2084xf32>,
    %get3A_441 = arith.constant 7 : index
    %get3A_442 = arith.constant 0 : index
    %get3A_443 = arith.constant 0 : index
    %get3A_444 = arith.constant 0 : index
    %get3A_445 = vector.load %arg1[%get3A_441, %get3A_442, %get3A_443, %get3A_444] : memref<8x2x72x2084xf32, #tpu.memory_space<vmem>>, vector<1x1x72x2084xf32>
    %get3A_446 = vector.shape_cast %get3A_445 : vector<1x1x72x2084xf32> to vector<72x2084xf32>
    %get3A_447 = arith.constant 7 : index
    %get3A_448 = arith.constant 1 : index
    %get3A_449 = arith.constant 0 : index
    %get3A_450 = arith.constant 0 : index
    %get3A_451 = vector.load %arg1[%get3A_447, %get3A_448, %get3A_449, %get3A_450] : memref<8x2x72x2084xf32, #tpu.memory_space<vmem>>, vector<1x1x72x2084xf32>
    %get3A_452 = vector.shape_cast %get3A_451 : vector<1x1x72x2084xf32> to vector<72x2084xf32>
    %ge3A_453 = arith.constant 5.000000e-01 : f32
    %ge3A_454 = vector.broadcast %ge3A_453 : f32 to vector<72x2084xf32>
    %ge3A_455 = arith.cmpf oge, %get3A_452, %ge3A_454 : vector<72x2084xf32>
    %jit3A_456 = arith.constant 0.000000e+00 : f32
    %broadcast_in_dim3A_457 = vector.broadcast %jit3A_456 : f32 to vector<72x2084xf32>
    %select_n3A_458 = arith.select %ge3A_455, %get3A_446, %broadcast_in_dim3A_457 : vector<72x2084xi1>, vector<72x2084xf32>
    %get3A_459 = arith.constant 0 : index
    %get3A_460 = arith.constant 0 : index
    %get3A_461 = arith.constant 0 : index
    %get3A_462 = vector.load %arg2[%get3A_459, %get3A_460, %get3A_461] : memref<3x72x2084xf32, #tpu.memory_space<vmem>>, vector<1x72x2084xf32>
    %get3A_463 = vector.shape_cast %get3A_462 : vector<1x72x2084xf32> to vector<72x2084xf32>
    %mul3A_464 = arith.mulf %select_n3A_458, %get3A_463 : vector<72x2084xf32>
    %swap3A_465 = arith.constant 7 : index
    %swap3A_466 = arith.constant 0 : index
    %swap3A_467 = arith.constant 0 : index
    %swap3A_468 = arith.constant 0 : index
    %swap3A_469 = vector.load %arg3[%swap3A_465, %swap3A_466, %swap3A_467, %swap3A_468] : memref<8x4x72x2084xf32, #tpu.memory_space<vmem>>, vector<1x1x72x2084xf32>
    %swap3A_470 = vector.shape_cast %swap3A_469 : vector<1x1x72x2084xf32> to vector<72x2084xf32>
    %swap3A_471 = vector.shape_cast %mul3A_464 : vector<72x2084xf32> to vector<1x1x72x2084xf32>
    tpu.vector_store %arg3[%swap3A_465, %swap3A_466, %swap3A_467, %swap3A_468], %swap3A_471 {strides = array<i32>} : memref<8x4x72x2084xf32, #tpu.memory_space<vmem>>, vector<1x1x72x2084xf32>,
    %get3A_472 = arith.constant 1 : index
    %get3A_473 = arith.constant 0 : index
    %get3A_474 = arith.constant 0 : index
    %get3A_475 = vector.load %arg2[%get3A_472, %get3A_473, %get3A_474] : memref<3x72x2084xf32, #tpu.memory_space<vmem>>, vector<1x72x2084xf32>
    %get3A_476 = vector.shape_cast %get3A_475 : vector<1x72x2084xf32> to vector<72x2084xf32>
    %mul3A_477 = arith.mulf %select_n3A_458, %get3A_476 : vector<72x2084xf32>
    %swap3A_478 = arith.constant 7 : index
    %swap3A_479 = arith.constant 1 : index
    %swap3A_480 = arith.constant 0 : index
    %swap3A_481 = arith.constant 0 : index
    %swap3A_482 = vector.load %arg3[%swap3A_478, %swap3A_479, %swap3A_480, %swap3A_481] : memref<8x4x72x2084xf32, #tpu.memory_space<vmem>>, vector<1x1x72x2084xf32>
    %swap3A_483 = vector.shape_cast %swap3A_482 : vector<1x1x72x2084xf32> to vector<72x2084xf32>
    %swap3A_484 = vector.shape_cast %mul3A_477 : vector<72x2084xf32> to vector<1x1x72x2084xf32>
    tpu.vector_store %arg3[%swap3A_478, %swap3A_479, %swap3A_480, %swap3A_481], %swap3A_484 {strides = array<i32>} : memref<8x4x72x2084xf32, #tpu.memory_space<vmem>>, vector<1x1x72x2084xf32>,
    %get3A_485 = arith.constant 2 : index
    %get3A_486 = arith.constant 0 : index
    %get3A_487 = arith.constant 0 : index
    %get3A_488 = vector.load %arg2[%get3A_485, %get3A_486, %get3A_487] : memref<3x72x2084xf32, #tpu.memory_space<vmem>>, vector<1x72x2084xf32>
    %get3A_489 = vector.shape_cast %get3A_488 : vector<1x72x2084xf32> to vector<72x2084xf32>
    %mul3A_490 = arith.mulf %select_n3A_458, %get3A_489 : vector<72x2084xf32>
    %swap3A_491 = arith.constant 7 : index
    %swap3A_492 = arith.constant 2 : index
    %swap3A_493 = arith.constant 0 : index
    %swap3A_494 = arith.constant 0 : index
    %swap3A_495 = vector.load %arg3[%swap3A_491, %swap3A_492, %swap3A_493, %swap3A_494] : memref<8x4x72x2084xf32, #tpu.memory_space<vmem>>, vector<1x1x72x2084xf32>
    %swap3A_496 = vector.shape_cast %swap3A_495 : vector<1x1x72x2084xf32> to vector<72x2084xf32>
    %swap3A_497 = vector.shape_cast %mul3A_490 : vector<72x2084xf32> to vector<1x1x72x2084xf32>
    tpu.vector_store %arg3[%swap3A_491, %swap3A_492, %swap3A_493, %swap3A_494], %swap3A_497 {strides = array<i32>} : memref<8x4x72x2084xf32, #tpu.memory_space<vmem>>, vector<1x1x72x2084xf32>,
    %swap3A_498 = arith.constant 7 : index
    %swap3A_499 = arith.constant 3 : index
    %swap3A_500 = arith.constant 0 : index
    %swap3A_501 = arith.constant 0 : index
    %swap3A_502 = vector.load %arg3[%swap3A_498, %swap3A_499, %swap3A_500, %swap3A_501] : memref<8x4x72x2084xf32, #tpu.memory_space<vmem>>, vector<1x1x72x2084xf32>
    %swap3A_503 = vector.shape_cast %swap3A_502 : vector<1x1x72x2084xf32> to vector<72x2084xf32>
    %swap3A_504 = vector.shape_cast %get3A_452 : vector<72x2084xf32> to vector<1x1x72x2084xf32>
    tpu.vector_store %arg3[%swap3A_498, %swap3A_499, %swap3A_500, %swap3A_501], %swap3A_504 {strides = array<i32>} : memref<8x4x72x2084xf32, #tpu.memory_space<vmem>>, vector<1x1x72x2084xf32>,
    return
  }
  func.func @transform_0(%arg0: i32) -> (i32, i32, i32, i32) {
    %c0_i32 = arith.constant 0 : i32
    %c0_i32_0 = arith.constant 0 : i32
    %c0_i32_1 = arith.constant 0 : i32
    %c0_i32_2 = arith.constant 0 : i32
    return %arg0, %c0_i32, %c0_i32_0, %c0_i32_1 : i32, i32, i32, i32
  }
  func.func @transform_1(%arg0: i32) -> (i32, i32, i32) {
    %c0_i32 = arith.constant 0 : i32
    %c0_i32_0 = arith.constant 0 : i32
    %c0_i32_1 = arith.constant 0 : i32
    %c0_i32_2 = arith.constant 0 : i32
    return %c0_i32, %c0_i32_0, %c0_i32_1 : i32, i32, i32
  }
  func.func @transform_2(%arg0: i32) -> (i32, i32, i32, i32) {
    %c0_i32 = arith.constant 0 : i32
    %c0_i32_0 = arith.constant 0 : i32
    %c0_i32_1 = arith.constant 0 : i32
    %c0_i32_2 = arith.constant 0 : i32
    return %arg0, %c0_i32, %c0_i32_0, %c0_i32_1 : i32, i32, i32, i32
  }
}

</mosaic_0001>

<sc_bundles>
// kernel: kernel.4.cloned.1.call-start
scs
__scs_entry_jumppad:
0x0: {  	(pc) =	sbr.rel $0x88, $3  }
0x1: {  	(tag) =	ssettag $0x0;
	lr =	simm.s32 $0x1  }
0x2: {  	[smem:$0x3FA0] =	sst lr;
	_ =	strace $0xD0000000  }
0x3: {  	_ = 	snop  }
0x4: {  	_ = 	snop  }
0x5: {  	_ = 	snop  }
0x6: {  	_ = 	snop  }
0x7: {  	_ = 	snop  }
__scs_overlays_trampoline_lowered:
0x8: {  	[smem:$0x3FAF] =	sst s0  }
0x9: {  	[smem:$0x3FB0] =	sst s1  }
0xa: {  	[smem:$0x3FB1] =	sst s2  }
0xb: {  	[smem:$0x3FB2] =	sst s3  }
0xc: {  	[smem:$0x3FB3] =	sst s4  }
0xd: {  	[smem:$0x3FB4] =	sst s5  }
0xe: {  	[smem:$0x3FB5] =	sst s6  }
0xf: {  	[smem:$0x3FB6] =	sst s7  }
0x10: {  	[smem:$0x3FB7] =	sst s8  }
0x11: {  	[smem:$0x3FB8] =	sst s9;
	s0 =	simm.s32 @!p0 $0x0  }
0x12: {  	s1 =	sld [smem:$0x3F9E];
	s0 =	simm.s32 @p0 $0x1  }
0x13: {  	[smem:$0x3FB9] =	sst s0;
	s0 =	simm.s32 @!p1 $0x0  }
0x14: {  	s2 =	sld [smem:$0x3F9D];
	s0 =	simm.s32 @p1 $0x1  }
0x15: {  	[smem:$0x3FBA] =	sst s0;
	s0 =	simm.s32 @!p2 $0x0  }
0x16: {  	s3 =	sld [smem:$0x3FDB];
	s0 =	simm.s32 @p2 $0x1  }
0x17: {  	s4 =	simm.s32 $0x1BF5;
	[smem:$0x3FBC] =	sst s0  }
0x18: {  	s0 =	sld [smem:$0x3F9F];
	_ =	swait.ge [sflag:s4], $0x0  }
0x19: {  	s7 =	sld [smem:$0x3FA0]  }
0x1a: {  	s8 =	sadd.s32 $0xFFFFE003, lr  }
0x1b: {  	s9 =	sadd.s32 $0xFFFFFEF7, lr;
	s5 =	simm.s32 $0xFFFFFFFF;
	p2 =	slt.u32 s8, $0xFFFFF086  }
0x1c: {  	p1 =	slt.u32 s9, $0xF7A;
	s5 =	simm.s32 @!p2 $0x0  }
0x1d: {  	s5 =	simm.s32 @p1 $0x1;
	p0 =	seq.s32 s7, s2  }
0x1e: {  	s7 =	smul.u32 @!p0 $0xF7A, s2;
	p2 =	seq.s32 @!p0 s5, $0x0  }
0x1f: {  	s9 =	smul.u32 $0xF7A, s1;
	s8 =	simm.s32 @!p0 $0x1BF5;
	p2 =	por !p2, p0  }
0x20: {  	[sflag:s8] =	ssyncset.s32 @!p0 $0xFFFFF086;
	s6 =	sadd.s32 @!p0 s3, s7;
	s7 =	simm.s32 @!p0 $0x108  }
0x21: {  	s3 =	sadd.s32 s3, s9;
	s6 =	sadd.s32 @!p0 $0x88, s6;
	s7 =	simm.s32 @p2 $0x1082  }
0x22: {  	[simem:s7], [sflag:s8] =	dma.local @!p0 [hbm:s6], $0xF7A  }
0x23: {  	s9 =	sor.u32 $0xD0000000, s2;
	s6 =	simm.s32 $0x108;
	_ =	swait.ge @!p0 [sflag:s8], $0x0  }
0x24: {  	s3 =	sadd.s32 $0x88, s3;
	s6 =	simm.s32 @!p1 $0x1082;
	[sflag:s4] =	ssyncset.s32 $0xFFFFF086  }
0x25: {  	[simem:s6], [sflag:s4] =	dma.local [hbm:s3], $0xF7A  }
0x26: {  	[smem:$0x3FA0] =	sst s1;
	(tag) =	ssettag s2;
	_ =	strace s9  }
0x27: {  	s1 =	sld [smem:$0x3FB0]  }
0x28: {  	s2 =	sld [smem:$0x3FB1]  }
0x29: {  	s4 =	sld [smem:$0x3FB3]  }
0x2a: {  	p0 =	seq.s32 s5, $0x0;
	s5 =	sld [smem:$0x3FB4]  }
0x2b: {  	s6 =	sld [smem:$0x3FB5]  }
0x2c: {  	s7 =	sld [smem:$0x3FB6]  }
0x2d: {  	s3 =	simm.s32 $0x108;
	s8 =	sld [smem:$0x3FB7]  }
0x2e: {  	s3 =	simm.s32 @!p0 $0x1082;
	s9 =	sld [smem:$0x3FB8]  }
0x2f: {  	lr =	sadd.s32 s0, s3;
	s0 =	sld [smem:$0x3FAF]  }
0x30: {  	s3 =	sld [smem:$0x3FB2]  }
0x31: {  	[smem:$0x3FBB] =	sst s10  }
0x32: {  	s10 =	sld [smem:$0x3FB9];
	_ =	sdelay $0x3  }
0x33: {  	p0 =	seq.s32 s10, $0x1;
	s10 =	sld [smem:$0x3FBB];
	_ =	sdelay $0x3  }
0x34: {  	[smem:$0x3FBB] =	sst s10  }
0x35: {  	s10 =	sld [smem:$0x3FBA];
	_ =	sdelay $0x3  }
0x36: {  	p1 =	seq.s32 s10, $0x1;
	s10 =	sld [smem:$0x3FBB];
	_ =	sdelay $0x3  }
0x37: {  	[smem:$0x3FBB] =	sst s10  }
0x38: {  	s10 =	sld [smem:$0x3FBC]  }
0x39: {  	_ = 	snop;
	(pc) =	sbr.ind lr, $3  }
0x3a: {  	_ = 	snop  }
0x3b: {  	_ = 	snop  }
0x3c: {  	p2 =	seq.s32 s10, $0x1;
	s10 =	sld [smem:$0x3FBB]  }
0x3d: {  	_ =	shalt  }
0x3e: {  	_ =	shalt  }
0x3f: {  	_ =	shalt  }
0x40: {  	_ =	shalt  }
0x41: {  	_ =	shalt  }
0x42: {  	_ =	shalt  }
0x43: {  	_ =	shalt  }
0x44: {  	_ =	shalt  }
0x45: {  	_ =	shalt  }
0x46: {  	_ =	shalt  }
0x47: {  	_ =	shalt  }
0x48: {  	_ =	shalt  }
0x49: {  	_ =	shalt  }
0x4a: {  	_ =	shalt  }
0x4b: {  	_ =	shalt  }
0x4c: {  	_ =	shalt  }
0x4d: {  	_ =	shalt  }
0x4e: {  	_ =	shalt  }
0x4f: {  	_ =	shalt  }
0x50: {  	_ =	shalt  }
0x51: {  	_ =	shalt  }
0x52: {  	_ =	shalt  }
0x53: {  	_ =	shalt  }
0x54: {  	_ =	shalt  }
0x55: {  	_ =	shalt  }
0x56: {  	_ =	shalt  }
0x57: {  	_ =	shalt  }
0x58: {  	_ =	shalt  }
0x59: {  	_ =	shalt  }
0x5a: {  	_ =	shalt  }
0x5b: {  	_ =	shalt  }
0x5c: {  	_ =	shalt  }
0x5d: {  	_ =	shalt  }
0x5e: {  	_ =	shalt  }
0x5f: {  	_ =	shalt  }
0x60: {  	_ =	shalt  }
0x61: {  	_ =	shalt  }
0x62: {  	_ =	shalt  }
0x63: {  	_ =	shalt  }
0x64: {  	_ =	shalt  }
0x65: {  	_ =	shalt  }
0x66: {  	_ =	shalt  }
0x67: {  	_ =	shalt  }
0x68: {  	_ =	shalt  }
0x69: {  	_ =	shalt  }
0x6a: {  	_ =	shalt  }
0x6b: {  	_ =	shalt  }
0x6c: {  	_ =	shalt  }
0x6d: {  	_ =	shalt  }
0x6e: {  	_ =	shalt  }
0x6f: {  	_ =	shalt  }
0x70: {  	_ =	shalt  }
0x71: {  	_ =	shalt  }
0x72: {  	_ =	shalt  }
0x73: {  	_ =	shalt  }
0x74: {  	_ =	shalt  }
0x75: {  	_ =	shalt  }
0x76: {  	_ =	shalt  }
0x77: {  	_ =	shalt  }
0x78: {  	_ =	shalt  }
0x79: {  	_ =	shalt  }
0x7a: {  	_ =	shalt  }
0x7b: {  	_ =	shalt  }
0x7c: {  	_ =	shalt  }
0x7d: {  	_ =	shalt  }
0x7e: {  	_ =	shalt  }
0x7f: {  	_ =	shalt  }
0x80: {  	_ =	shalt  }
0x81: {  	_ =	shalt  }
0x82: {  	_ =	shalt  }
0x83: {  	_ =	shalt  }
0x84: {  	_ =	shalt  }
0x85: {  	_ =	shalt  }
0x86: {  	_ =	shalt  }
0x87: {  	_ =	shalt  }
.Lfunc_end0:
.L_simem_size_0:
called_computation_lowered:
.L_overlay_start_0:
0x88: {  	s2 =	sld [smem:$0x3FD9]  }
0x89: {  	s3 =	sld [smem:$0x3FFE];
	_ =	sdelay $0x1  }
0x8a: {  	s1 =	srdreg.scid  }
0x8b: {  	s0 =	sand.u32 $0x1, s1  }
0x8c: {  	s17 =	sshll.u32 s0, $0xA;
	s2 =	sadd.s32 s3, s2  }
0x8d: {  	s2 =	sadd.s32 s2, s17  }
0x8e: {  	[smem:$0x3FC7] =	sst s2  }
0x8f: {  	_ = 	snop  }
0x90: {  	s2 =	sld [smem:$0x3FD0];
	(tm) =	ssettm $0x1  }
0x91: {  	s18 =	sld [smem:$0x3FFB];
	_ =	sdelay $0x3  }
0x92: {  	_ =	strace s18  }
0x93: {  	s3 =	sld [smem:$0x3FFC];
	_ =	sdelay $0x3  }
0x94: {  	_ =	strace s3  }
0x95: {  	s3 =	sld [smem:$0x3FFD];
	_ =	sdelay $0x3  }
0x96: {  	_ =	strace s3  }
0x97: {  	_ =	strace $0x8FFFFFFF  }
0x98: {  	s19 =	sld [smem:$0x3FDB];
	_ =	sdelay $0x1  }
0x99: {  	s4 =	simm.s32 $_scs_section_size  }
0x9a: {  	s5 =	simm.s32 $_size__tile_overlayer_lowered;
	s6 =	simm.s32 $_tile_overlayer_lowered  }
0x9b: {  	s22 =	simm.s32 $0x1BFF;
	s21 =	sshll.u32 s6, $0x1;
	s3 =	sadd.s32 s4, s19  }
0x9c: {  	s7 =	simm.s32 $0x0;
	s20 =	sshll.u32 s5, $0x1;
	s5 =	sadd.s32 s21, s3  }
0x9d: {  	[timem:s7], [sflag:s22] =	dma.local [hbm:s5], s20  }
0x9e: {  	_ =	swait.ge [sflag:s22], s20  }
0x9f: {  	s4 =	ssub.s32 $0x0, s20;
	[sflag:s22] =	ssyncset.done $0x0  }
0xa0: {  	[sflag:s22] =	ssyncadd.s32 s4;
	_ =	sdelay $0x1  }
0xa1: {  	s23 =	simm.s32 $0x1B8B  }
0xa2: {  	_ =	swait.ge [sflag:s23], $0x1  }
0xa3: {  	[sflag:s23] =	ssyncset.done $0x0  }
0xa4: {  	s25 =	simm.s32 $0x1B8E;
	s24 =	sld [smem:$0x3FFE];
	[sflag:s23] =	ssyncadd.s32 $0xFFFFFFFF  }
0xa5: {  	s26 =	simm.s32 $execute0_lowered;
	[smem:$0x3FD2] =	sst s25  }
0xa6: {  	s5 =	sshll.u32 s26, $0x1;
	_ =	strace $0x80000046;
	[dreg:$0x1] =	wrdreg $0xFFFFFFFF  }
0xa7: {  	s28 =	simm.s32 $_size_execute0_lowered;
	s3 =	sadd.s32 s3, s5;
	[dreg:$0x0] =	wrdreg $0x0  }
0xa8: {  	s5 =	sshll.u32 s28, $0x1;
	[dreg:$0x2] =	wrdreg s3  }
0xa9: {  	[dreg:$0x3] =	wrdreg s5  }
0xaa: {  	[dreg:$0x4] =	wrdreg $0xC0  }
0xab: {  	_ =	task [dreg:s7], $0x5FFFF  }
0xac: {  	[dreg:$0x1] =	wrdreg $0xFFFFFFFF  }
0xad: {  	[dreg:$0x0] =	wrdreg $0x60  }
0xae: {  	[dreg:$0x2] =	wrdreg s2  }
0xaf: {  	[dreg:$0x3] =	wrdreg s24  }
0xb0: {  	[dreg:$0x4] =	wrdreg $0x9  }
0xb1: {  	_ =	task.clear_ibuf [dreg:s7], $0x5FFFF;
	_ =	strace $0x90000046  }
0xb2: {  	s29 =	simm.s32 $0x9;
	_ =	strace $0x80000048  }
0xb3: {  	_ =	swait.ge [sflag:s29], $0x1  }
0xb4: {  	[sflag:s29] =	ssyncadd.s32 $0xFFFFFFFF  }
0xb5: {  	_ =	strace $0x90000048  }
0xb6: {  	_ =	sfence  }
0xb7: {  	s30 =	sld [smem:$0x0];
	_ =	sdelay $0x2  }
0xb8: {  	s31 =	sshll.u32 s1, $0xD;
	s1 =	sshrl.u32 s1, $0x2  }
0xb9: {  	s3 =	sand.u32 $0x4000, s31;
	s1 =	sadd.s32 s1, s30  }
0xba: {  	s0 =	sor.u32 s3, s0;
	s1 =	sshll.u32 s1, $0x11  }
0xbb: {  	s0 =	sor.u32 s1, s0  }
0xbc: {  	s0 =	sadd.s32 $0x8F2B, s0  }
0xbd: {  	[sflag:s0] =	ssyncadd.remote.s32 $0x1  }
0xbe: {  	_ =	sfence.sel $0xFFFF  }
0xbf: {  	[dreg:$0x0] =	wrdreg $0xFFFFFFFF;
	(pc) =	sbr.abs _section_cstart, $3  }
0xc0: {  	[dreg:$0x1] =	wrdreg $0xFFFFFFFF  }
0xc1: {  	_ =	task.clear_ibuf [dreg:s7], $0x2FFFF;
	_ =	strace $0x9FFFFFFF  }
0xc2: {  	(tm) =	ssettm $0x7FFFFFFF  }
0xc3: {  	_ =	shalt  }
tec
execute0_lowered:
.L_overlay_start_1:
0x0: {  	(tag) =	ssettag $0x1  }
0x1: {  	s2 =	rddreg [dreg:$0x0]  }
0x2: {  	s0 =	srdreg.scid;
	s3 =	stileid.u32  }
0x3: {  	s1 =	rddreg [dreg:$0x1];
	s29 =	simm.s32 $0x3780;
	s30 =	simm.s32 $0x4A00  }
0x4: {  	s31 =	simm.s32 $0x5C80;
	s21 =	simm.s32 $0x2;
	s22 =	simm.s32 $0x9400  }
0x5: {  	s11 =	simm.s32 $0x0;
	s0 =	sand.u32 $0x1, s0;
	s4 =	sshll.u32 s3, $0x1  }
0x6: {  	s3 =	simm.s32 $0x0;
	s6 =	sadd.s32 $0x600, s1;
	s4 =	sor.u32 s0, s4  }
0x7: {  	[smem:$0x7FF] =	sst s3;
	s0 =	ssub.s32 $0x2, s0;
	s4 =	smul.u32 $0x1250, s4  }
0x8: {  	s5 =	sadd.s32 $0xE200, s1;
	_ =	strace $0x80000047;
	s23 =	sshrl.u32 s0, $0x1  }
0x9: {  	s0 =	ssub.s32 s0, s23;
	s23 =	simm.s32 $0xA680;
	s9 =	sshrl.u32 s4, $0x3  }
0xa: {  	s7 =	sadd.s32 $0x24A20, s4;
	s8 =	sadd.s32 $0x49440, s4;
	s13 =	sadd.s32 $0x1050240, s4  }
0xb: {  	s14 =	sadd.s32 $0x6DE60, s4;
	s15 =	sadd.s32 $0x1099680, s4;
	s16 =	sadd.s32 $0x92880, s4  }
0xc: {  	s17 =	sadd.s32 $0xB72A0, s4;
	s18 =	sadd.s32 $0xDBCC0, s4;
	s19 =	sadd.s32 $0x1006E0, s4  }
0xd: {  	s0 =	smax.u32 s0, $0x1;
	s24 =	sadd.s32 s6, s9;
	s25 =	sshrl.u32 s7, $0x3  }
0xe: {  	s9 =	sadd.s32 s2, s9;
	s26 =	sshrl.u32 s8, $0x3;
	[dreg:$0x8] =	wrdreg s0  }
0xf: {  	s0 =	simm.s32 $0x8180;
	[dreg:$0x3] =	wrdreg s24;
	s1 =	sadd.s32 s6, s25  }
0x10: {  	s10 =	sadd.s32 $0x200DC0, s9;
	s28 =	sadd.s32 $0x205704, s9;
	[dreg:$0x4] =	wrdreg s1  }
0x11: {  	s25 =	simm.s32 $0xB900;
	[dreg:$0x5] =	wrdreg s10;
	s1 =	sadd.s32 s6, s26  }
0x12: {  	[dreg:$0x7] =	wrdreg s28;
	s26 =	simm.s32 $0x1;
	s6 =	simm.s32 $0xCB80  }
0x13: {  	s10 =	simm.s32 $0x4;
	[dreg:$0x6] =	wrdreg s1;
	s1 =	simm.s32 $0x6F00  }
.LBB2_1:
0x14: {  	[dreg:$0x9] =	wrdreg s11  }
0x15: {  	s9 =	rddreg [dreg:$0x3];
	s28 =	simm.s32 $0xDE00  }
0x16: {  	[tilespmem:s28], [sflag:$0x5] =	stream.linear.gather [hbm4b:s9+s3], $0x1270, $0x38;
	[tilespmem:$0x11580] =	vst v63  }
0x17: {  	s12 =	rddreg [dreg:$0x4];
	s20 =	simm.s32 $0xF080  }
0x18: {  	[tilespmem:s20], [sflag:$0x5] =	stream.linear.gather [hbm4b:s12+s3], $0x1270, $0x38;
	[tilespmem:$0x11580] =	vst v63  }
0x19: {  	s24 =	rddreg [dreg:$0x6];
	s28 =	simm.s32 $0x10300;
	s12 =	simm.s32 $0x5  }
0x1a: {  	[tilespmem:s28], [sflag:$0x5] =	stream.linear.gather [hbm4b:s24+s3], $0x1270, $0x38;
	[tilespmem:$0x11580] =	vst v63  }
0x1b: {  	_ =	swait.ge [sflag:s12], $0x1270  }
0x1c: {  	[sflag:s12] =	ssyncset.done $0x0  }
0x1d: {  	[sflag:s12] =	ssyncadd.s32 $0xFFFFED90  }
0x1e: {  	_ =	swait.ge [sflag:s12], $0x1270  }
0x1f: {  	[sflag:s12] =	ssyncset.done $0x0  }
0x20: {  	[sflag:s12] =	ssyncadd.s32 $0xFFFFED90  }
0x21: {  	_ =	swait.ge [sflag:s12], $0x1270  }
0x22: {  	[sflag:s12] =	ssyncset.done $0x0  }
0x23: {  	s20 =	rddreg [dreg:$0x5];
	[sflag:s12] =	ssyncadd.s32 $0xFFFFED90  }
0x24: {  	[tilespmem:s3], [sflag:$0x1] =	stream.linear.gather [hbm4b:s20+s3], $0x1270, $0x38;
	[tilespmem:$0x11580] =	vst v63  }
0x25: {  	s28 =	simm.s32 $0x1280;
	s24 =	rddreg [dreg:$0x7];
	s12 =	simm.s32 $0x0  }
0x26: {  	[tilespmem:s28], [sflag:$0x1] =	stream.linear.gather [hbm4b:s24+s3], $0x1270, $0x38;
	[tilespmem:$0x11580] =	vst v63  }
.LBB2_2:
0x27: {  	_ =	swait.ge [sflag:s26], $0x1270  }
0x28: {  	s24 =	smul.u32 $0x92880, s12;
	[sflag:s26] =	ssyncset.done $0x0  }
0x29: {  	[sflag:s26] =	ssyncadd.s32 $0xFFFFED90  }
0x2a: {  	s9 =	sadd.s32 s24, s13;
	_ =	swait.ge [sflag:s26], $0x1270  }
0x2b: {  	s9 =	sshrl.u32 s9, $0x3;
	[sflag:s26] =	ssyncset.done $0x0  }
0x2c: {  	s11 =	simm.s32 $0x2500;
	s9 =	sadd.s32 s2, s9;
	[sflag:s26] =	ssyncadd.s32 $0xFFFFED90  }
0x2d: {  	[tilespmem:s11], [sflag:$0x2] =	stream.linear.gather [hbm4b:s9+s3], $0x1270, $0x38;
	[tilespmem:$0x11580] =	vst v63  }
0x2e: {  	p0 =	seq.s32 s12, $0x0;
	s9 =	sadd.s32 $0x4944, s9  }
0x2f: {  	[tilespmem:s29], [sflag:$0x2] =	stream.linear.gather [hbm4b:s9+s3], $0x1270, $0x38;
	[tilespmem:$0x11580] =	vst v63  }
0x30: {  	s9 =	simm.s32 @!p0 $0x3  }
0x31: {  	_ =	swait.ge @!p0 [sflag:s9], $0x1270  }
0x32: {  	[sflag:s9] =	ssyncset.done @!p0 $0x0  }
0x33: {  	[sflag:s9] =	ssyncadd.s32 @!p0 $0xFFFFED90  }
0x34: {  	_ =	swait.ge @!p0 [sflag:s9], $0x1270  }
0x35: {  	[sflag:s9] =	ssyncset.done @!p0 $0x0  }
0x36: {  	[sflag:s9] =	ssyncadd.s32 @!p0 $0xFFFFED90  }
0x37: {  	_ =	swait.ge @!p0 [sflag:s9], $0x1270  }
0x38: {  	[sflag:s9] =	ssyncset.done @!p0 $0x0  }
0x39: {  	[sflag:s9] =	ssyncadd.s32 @!p0 $0xFFFFED90  }
0x3a: {  	_ =	swait.ge @!p0 [sflag:s9], $0x1270  }
0x3b: {  	[sflag:s9] =	ssyncset.done @!p0 $0x0  }
0x3c: {  	s20 =	simm.s32 $0x0;
	[sflag:s9] =	ssyncadd.s32 @!p0 $0xFFFFED90  }
0x3d: {  	v1 =	vld [tilespmem:s20+$0x1280]  }
0x3e: {  	v2 =	vld [tilespmem:s20+$0x0]  }
0x3f: {  	v3 =	vld [tilespmem:s20+$0x10300]  }
0x40: {  	v5 =	vld [tilespmem:s20+$0xDE00]  }
0x41: {  	v6 =	vld [tilespmem:s20+$0xF080]  }
0x42: {  	s9 =	simm.s32 $0x10;
	vm0 =	vge.f32 v1, $5.000000000e-01  }
0x43: {  	v0 =	vld [tilespmem:s9+$0x1280];
	[tilespmem:s20+$0x8180] =	vst v1;
	v7 =	vnsel vm0, $0x0, v2  }
0x44: {  	v4 =	vld [tilespmem:s9+$0x0];
	v3 =	vmul.f32 v3, v7  }
0x45: {  	v2 =	vld [tilespmem:s9+$0x10300];
	v8 =	vmul.f32 v7, v5  }
0x46: {  	v1 =	vld [tilespmem:s9+$0xDE00];
	v5 =	vmul.f32 v6, v7;
	[tilespmem:s20+$0x6F00] =	vst v3  }
0x47: {  	s11 =	simm.s32 $0x80;
	v3 =	vld [tilespmem:s9+$0xF080];
	[tilespmem:s20+$0x4A00] =	vst v8  }
.LBB2_3:
0x48: {  	s28 =	sshra.s32 s11, $0x2;
	p0 =	sne.s32 s11, $0x4980;
	s11 =	sadd.s32 $0x40, s11;
	vm0 =	vge.f32 v0, $5.000000000e-01;
	[tilespmem:s20+$0x5C80] =	vst v5  }
.Ltmp0:
0x49: {  	s20 =	smov.u32 s9;
	v5 =	vnsel vm0, $0x0, v4;
	[tilespmem:s9+$0x8180] =	vst v0;
	v0 =	vld [tilespmem:s28+$0x1280];
	s9 =	smov.u32 s28;
	(pc) =	sbr.rel @p0 .LBB2_3-.Ltmp0, $4  }
0x4a: {  	v4 =	vld [tilespmem:s9+$0x0];
	v6 =	vmul.f32 v2, v5  }
0x4b: {  	v2 =	vld [tilespmem:s9+$0x10300];
	v7 =	vmul.f32 v5, v1  }
0x4c: {  	v1 =	vld [tilespmem:s9+$0xDE00];
	v5 =	vmul.f32 v3, v5;
	[tilespmem:s20+$0x6F00] =	vst v6  }
0x4d: {  	v3 =	vld [tilespmem:s9+$0xF080];
	[tilespmem:s20+$0x4A00] =	vst v7  }
0x4e: {  	vm0 =	vge.f32 v0, $5.000000000e-01  }
0x4f: {  	v4 =	vnsel vm0, $0x0, v4  }
0x50: {  	[tilespmem:s20+$0x5C80] =	vst v5;
	s20 =	smul.u32 $0x125100, s12;
	v2 =	vmul.f32 v2, v4  }
0x51: {  	[tilespmem:s9+$0x8180] =	vst v0;
	v0 =	vmul.f32 v4, v1  }
0x52: {  	s11 =	sadd.s32 s4, s20;
	v1 =	vmul.f32 v3, v4;
	[tilespmem:s9+$0x6F00] =	vst v2  }
0x53: {  	s28 =	sadd.s32 s20, s7;
	s11 =	sshrl.u32 s11, $0x3;
	[tilespmem:s9+$0x4A00] =	vst v0  }
0x54: {  	s11 =	sadd.s32 s5, s11;
	[tilespmem:s9+$0x5C80] =	vst v1;
	s9 =	sshrl.u32 s28, $0x3  }
0x55: {  	[hbm4b:s11+s3] =	stream.linear.scatter [tilespmem:s30], [sflag:$0x3], $0x1270, $0x38;
	[tilespmem:$0x11580] =	vst v63  }
0x56: {  	s9 =	sadd.s32 s5, s9;
	s11 =	sadd.s32 s20, s8  }
0x57: {  	[hbm4b:s9+s3] =	stream.linear.scatter [tilespmem:s31], [sflag:$0x3], $0x1270, $0x38;
	[tilespmem:$0x11580] =	vst v63  }
0x58: {  	s9 =	sshrl.u32 s11, $0x3  }
0x59: {  	s28 =	sadd.s32 s20, s14;
	s9 =	sadd.s32 s5, s9  }
0x5a: {  	[hbm4b:s9+s3] =	stream.linear.scatter [tilespmem:s1], [sflag:$0x3], $0x1270, $0x38;
	[tilespmem:$0x11580] =	vst v63  }
0x5b: {  	s9 =	sshrl.u32 s28, $0x3  }
0x5c: {  	s9 =	sadd.s32 s5, s9  }
0x5d: {  	[hbm4b:s9+s3] =	stream.linear.scatter [tilespmem:s0], [sflag:$0x3], $0x1270, $0x38;
	[tilespmem:$0x11580] =	vst v63  }
0x5e: {  	_ =	swait.ge [sflag:s21], $0x1270  }
0x5f: {  	[sflag:s21] =	ssyncset.done $0x0  }
0x60: {  	p0 =	seq.s32 s12, $0x3;
	[sflag:s21] =	ssyncadd.s32 $0xFFFFED90  }
0x61: {  	s9 =	sadd.s32 @!p0 s24, s15;
	_ =	swait.ge [sflag:s21], $0x1270  }
0x62: {  	s9 =	sshrl.u32 @!p0 s9, $0x3;
	[sflag:s21] =	ssyncset.done $0x0  }
0x63: {  	s11 =	simm.s32 @!p0 $0x0;
	s9 =	sadd.s32 @!p0 s2, s9;
	[sflag:s21] =	ssyncadd.s32 $0xFFFFED90  }
0x64: {  	[tilespmem:s11], [sflag:$0x1] =	stream.linear.gather @!p0 [hbm4b:s9+s11], $0x1270, $0x38;
	[tilespmem:$0x11580] =	vst v63  }
0x65: {  	p1 =	seq.s32 @!p0 s12, $0x0;
	s24 =	simm.s32 @!p0 $0x1280;
	s9 =	sadd.s32 @!p0 $0x4944, s9  }
0x66: {  	[tilespmem:s24], [sflag:$0x1] =	stream.linear.gather @!p0 [hbm4b:s9+s11], $0x1270, $0x38;
	[tilespmem:$0x11580] =	vst v63  }
0x67: {  	p0 =	por p0, !p1  }
0x68: {  	_ =	swait.ge @p0 [sflag:s10], $0x1270  }
0x69: {  	[sflag:s10] =	ssyncset.done @p0 $0x0  }
0x6a: {  	[sflag:s10] =	ssyncadd.s32 @p0 $0xFFFFED90  }
0x6b: {  	_ =	swait.ge @p0 [sflag:s10], $0x1270  }
0x6c: {  	[sflag:s10] =	ssyncset.done @p0 $0x0  }
0x6d: {  	[sflag:s10] =	ssyncadd.s32 @p0 $0xFFFFED90  }
0x6e: {  	_ =	swait.ge @p0 [sflag:s10], $0x1270  }
0x6f: {  	[sflag:s10] =	ssyncset.done @p0 $0x0  }
0x70: {  	[sflag:s10] =	ssyncadd.s32 @p0 $0xFFFFED90  }
0x71: {  	_ =	swait.ge @p0 [sflag:s10], $0x1270  }
0x72: {  	[sflag:s10] =	ssyncset.done @p0 $0x0  }
0x73: {  	s24 =	simm.s32 $0x0;
	[sflag:s10] =	ssyncadd.s32 @p0 $0xFFFFED90  }
0x74: {  	v1 =	vld [tilespmem:s24+$0x3780]  }
0x75: {  	v2 =	vld [tilespmem:s24+$0x2500]  }
0x76: {  	v3 =	vld [tilespmem:s24+$0x10300]  }
0x77: {  	v5 =	vld [tilespmem:s24+$0xDE00]  }
0x78: {  	v6 =	vld [tilespmem:s24+$0xF080]  }
0x79: {  	s9 =	simm.s32 $0x10;
	vm15 =	vge.f32 v1, $5.000000000e-01  }
0x7a: {  	v0 =	vld [tilespmem:s9+$0x3780];
	[tilespmem:s24+$0xCB80] =	vst v1;
	v7 =	vnsel vm15, $0x0, v2  }
0x7b: {  	v4 =	vld [tilespmem:s9+$0x2500];
	v3 =	vmul.f32 v3, v7  }
0x7c: {  	v2 =	vld [tilespmem:s9+$0x10300];
	v8 =	vmul.f32 v7, v5  }
0x7d: {  	v1 =	vld [tilespmem:s9+$0xDE00];
	v5 =	vmul.f32 v6, v7;
	[tilespmem:s24+$0xB900] =	vst v3  }
0x7e: {  	s11 =	simm.s32 $0x80;
	v3 =	vld [tilespmem:s9+$0xF080];
	[tilespmem:s24+$0x9400] =	vst v8  }
.LBB2_5:
0x7f: {  	s28 =	sshra.s32 s11, $0x2;
	p0 =	sne.s32 s11, $0x4980;
	s11 =	sadd.s32 $0x40, s11;
	vm0 =	vge.f32 v0, $5.000000000e-01;
	[tilespmem:s24+$0xA680] =	vst v5  }
.Ltmp1:
0x80: {  	s24 =	smov.u32 s9;
	v5 =	vnsel vm0, $0x0, v4;
	[tilespmem:s9+$0xCB80] =	vst v0;
	v0 =	vld [tilespmem:s28+$0x3780];
	s9 =	smov.u32 s28;
	(pc) =	sbr.rel @p0 .LBB2_5-.Ltmp1, $4  }
0x81: {  	v4 =	vld [tilespmem:s9+$0x2500];
	v6 =	vmul.f32 v2, v5  }
0x82: {  	v2 =	vld [tilespmem:s9+$0x10300];
	v7 =	vmul.f32 v5, v1  }
0x83: {  	v1 =	vld [tilespmem:s9+$0xDE00];
	v5 =	vmul.f32 v3, v5;
	[tilespmem:s24+$0xB900] =	vst v6  }
0x84: {  	v3 =	vld [tilespmem:s9+$0xF080];
	[tilespmem:s24+$0x9400] =	vst v7  }
0x85: {  	vm0 =	vge.f32 v0, $5.000000000e-01  }
0x86: {  	v4 =	vnsel vm0, $0x0, v4  }
0x87: {  	[tilespmem:s24+$0xA680] =	vst v5;
	v2 =	vmul.f32 v2, v4  }
0x88: {  	s11 =	sadd.s32 s20, s16;
	[tilespmem:s9+$0xCB80] =	vst v0;
	v62 =	vmul.f32 v4, v1  }
0x89: {  	s11 =	sshrl.u32 s11, $0x3;
	v63 =	vmul.f32 v3, v4;
	[tilespmem:s9+$0xB900] =	vst v2  }
0x8a: {  	s28 =	sadd.s32 s5, s11;
	s11 =	sadd.s32 s20, s17;
	[tilespmem:s9+$0x9400] =	vst v62  }
0x8b: {  	[tilespmem:s9+$0xA680] =	vst v63;
	s9 =	sshrl.u32 s11, $0x3  }
0x8c: {  	[hbm4b:s28+s3] =	stream.linear.scatter [tilespmem:s22], [sflag:$0x4], $0x1270, $0x38;
	[tilespmem:$0x11580] =	vst v63  }
0x8d: {  	s24 =	sadd.s32 s20, s18;
	s12 =	sadd.s32 $0x1, s12;
	s9 =	sadd.s32 s5, s9  }
0x8e: {  	[hbm4b:s9+s3] =	stream.linear.scatter [tilespmem:s23], [sflag:$0x4], $0x1270, $0x38;
	[tilespmem:$0x11580] =	vst v63  }
0x8f: {  	p0 =	sne.s32 s12, $0x4;
	s9 =	sshrl.u32 s24, $0x3  }
.Ltmp2:
0x90: {  	s28 =	sadd.s32 s20, s19;
	s9 =	sadd.s32 s5, s9;
	(pc) =	sbr.rel @p0 .LBB2_2-.Ltmp2, $4  }
0x91: {  	[hbm4b:s9+s3] =	stream.linear.scatter [tilespmem:s25], [sflag:$0x4], $0x1270, $0x38;
	[tilespmem:$0x11580] =	vst v63  }
0x92: {  	s9 =	sshrl.u32 s28, $0x3  }
0x93: {  	s9 =	sadd.s32 s5, s9  }
0x94: {  	[hbm4b:s9+s3] =	stream.linear.scatter [tilespmem:s6], [sflag:$0x4], $0x1270, $0x38;
	[tilespmem:$0x11580] =	vst v63  }
0x95: {  	s9 =	simm.s32 $0x3  }
0x96: {  	_ =	swait.ge [sflag:s9], $0x1270  }
0x97: {  	[sflag:s9] =	ssyncset.done $0x0  }
0x98: {  	[sflag:s9] =	ssyncadd.s32 $0xFFFFED90  }
0x99: {  	_ =	swait.ge [sflag:s9], $0x1270  }
0x9a: {  	[sflag:s9] =	ssyncset.done $0x0  }
0x9b: {  	[sflag:s9] =	ssyncadd.s32 $0xFFFFED90  }
0x9c: {  	_ =	swait.ge [sflag:s9], $0x1270  }
0x9d: {  	[sflag:s9] =	ssyncset.done $0x0  }
0x9e: {  	[sflag:s9] =	ssyncadd.s32 $0xFFFFED90  }
0x9f: {  	_ =	swait.ge [sflag:s9], $0x1270  }
0xa0: {  	[sflag:s9] =	ssyncset.done $0x0  }
0xa1: {  	[sflag:s9] =	ssyncadd.s32 $0xFFFFED90  }
0xa2: {  	_ =	swait.ge [sflag:s10], $0x1270  }
0xa3: {  	[sflag:s10] =	ssyncset.done $0x0  }
0xa4: {  	[sflag:s10] =	ssyncadd.s32 $0xFFFFED90  }
0xa5: {  	_ =	swait.ge [sflag:s10], $0x1270  }
0xa6: {  	[sflag:s10] =	ssyncset.done $0x0  }
0xa7: {  	[sflag:s10] =	ssyncadd.s32 $0xFFFFED90  }
0xa8: {  	_ =	swait.ge [sflag:s10], $0x1270  }
0xa9: {  	[sflag:s10] =	ssyncset.done $0x0  }
0xaa: {  	[sflag:s10] =	ssyncadd.s32 $0xFFFFED90  }
0xab: {  	_ =	swait.ge [sflag:s10], $0x1270  }
0xac: {  	s11 =	rddreg [dreg:$0x9]  }
0xad: {  	s28 =	rddreg [dreg:$0x8];
	s11 =	sadd.s32 $0x1, s11  }
0xae: {  	p0 =	sne.s32 s11, s28  }
.Ltmp3:
0xaf: {  	_ = 	snop;
	(pc) =	sbr.rel @p0 .LBB2_1-.Ltmp3, $3  }
0xb0: {  	_ =	sdelay $0x1  }
0xb1: {  	[sflag:s10] =	ssyncset.done $0x0  }
0xb2: {  	[sflag:s10] =	ssyncadd.s32 $0xFFFFED90  }
0xb3: {  	_ =	sfence.sel $0x180000  }
0xb4: {  	[bflag:$0x0] =	sbarrier.arrive $0xFFFF  }
0xb5: {  	_ =	strace $0x90000047  }
0xb6: {  	s0 =	stileid.u32;
	[bflag:$0x2] =	sbarrier.arrive $0xFFFF  }
0xb7: {  	p0 =	sne.s32 s0, $0x0;
	s0 =	rddreg [dreg:$0x2]  }
0xb8: {  	s0 =	sadd.s32 @!p0 $0x100000, s0  }
0xb9: {  	[sflag:s0] =	ssyncadd.tile.s32 @!p0 $0x1;
	_ =	shalt  }
.Lfunc_end2:
_tile_overlayer_lowered:
.L_overlay_start_2:
0xba: {  	(tag) =	ssettag $0x2  }
0xbb: {  	s0 =	rddreg [dreg:$0x0];
	s2 =	stileid.u32  }
0xbc: {  	s1 =	rddreg [dreg:$0x1];
	p0 =	sne.s32 s2, $0x0  }
0xbd: {  	s3 =	rddreg [dreg:$0x2];
	[bflag:$0x3] =	sbarrier.arrive $0xFFFF;
	s2 =	simm.s32 @!p0 $0x1C06  }
0xbe: {  	[timem:s3], [sflag:s2] =	dma.local @!p0 [hbm:s0], s1  }
0xbf: {  	s0 =	simm.s32 @!p0 $0x6  }
0xc0: {  	_ =	swait.ge @!p0 [sflag:s0], s1  }
0xc1: {  	s1 =	ssub.s32 @!p0 $0x0, s1;
	[sflag:s0] =	ssyncset.done @!p0 $0x0  }
0xc2: {  	[sflag:s0] =	ssyncadd.s32 @!p0 s1  }
0xc3: {  	[bflag:$0x3] =	sbarrier.arrive $0xFFFF  }
0xc4: {  	_ =	shalt  }

</sc_bundles>
